<compile_context>
chip_gen: v7x
topology: tpu7x:2x2x1
jax: 0.10.2.dev20260603
libtpu: 0.0.44.dev20260713+nightly
codegen_flags: <defaults>
</compile_context>

<pallas_src>
import functools

import jax
import jax.numpy as jnp
from jax import lax
from jax.experimental import pallas as pl
from jax.experimental.pallas import tpu as pltpu
from jax.experimental.pallas import tpu_sc as plsc

NUM_EMB = 1000
EMB_DIM = 10
OUT_DIM = 2
BATCH = 16384
HIST = 200

NC = 2
NS = 16
L = 16
NW = NC * NS
COLS_PER_W = BATCH // NW
GROUPS = COLS_PER_W // L

U = 10
NACC = 5
CH = 8
NCH = GROUPS // CH
CHC = CH * L


def _fold_body(table_ref, w_ref, b_ref, pk_ref):
    prod = lax.dot_general(
        w_ref[...], table_ref[...],
        (((1,), (1,)), ((), ())),
        preferred_element_type=jnp.float32,
    )
    t = prod * (1.0 / HIST) + b_ref[...].reshape(OUT_DIM, 1) * (1.0 / HIST)
    bits = lax.bitcast_convert_type(t, jnp.uint32)
    rnd = bits + jnp.uint32(0x7FFF) + ((bits >> 16) & jnp.uint32(1))
    top = rnd & jnp.uint32(0xFFFF0000)
    pk = top[1, :] | (top[0, :] >> 16)
    pk_ref[...] = lax.bitcast_convert_type(pk, jnp.int32)


def _fold_table(table, W, b):
    return pl.pallas_call(
        _fold_body,
        out_shape=jax.ShapeDtypeStruct((NUM_EMB,), jnp.int32),
    )(table, W, b)


def _make_sc_kernel():
    mesh = plsc.VectorSubcoreMesh(
        core_axis_name="c", subcore_axis_name="s",
        num_cores=NC, num_subcores=NS,
    )

    @functools.partial(
        pl.kernel,
        out_type=jax.ShapeDtypeStruct((BATCH * OUT_DIM,), jnp.float32),
        mesh=mesh,
        compiler_params=pltpu.CompilerParams(needs_layout_passes=False),
        scratch_types=[
            pltpu.VMEM((NUM_EMB,), jnp.int32),
            pltpu.VMEM((2, HIST, CHC), jnp.int32),
            pltpu.VMEM((COLS_PER_W * OUT_DIM,), jnp.float32),
            pltpu.SemaphoreType.DMA,
            pltpu.SemaphoreType.DMA,
        ],
    )
    def sc_embed(xt_hbm, t_hbm, out_hbm, t_v, x_v, out_v, sem0, sem1):
        wid = lax.axis_index("s") * NC + lax.axis_index("c")
        col0 = wid * COLS_PER_W
        pltpu.sync_copy(t_hbm, t_v)

        sems = (sem0, sem1)
        mask_hi = jnp.int32(-65536)

        def chunk_src(c):
            return xt_hbm.at[:, pl.ds(col0 + c * CHC, CHC)]

        def buf_dst(buf):
            return x_v.at[buf]

        pending = [pltpu.async_copy(chunk_src(0), buf_dst(0), sem0), None]
        for c in range(NCH):
            buf = c & 1
            pending[buf].wait()
            if c + 1 < NCH:
                nb = 1 - buf
                pending[nb] = pltpu.async_copy(
                    chunk_src(c + 1), buf_dst(nb), sems[nb])

            def group_body(g, carry, *, _buf=buf, _c=c):
                cb = g * L

                def l_body(i, accs):
                    accs = list(accs)
                    lb = i * U
                    for k in range(U):
                        idx = x_v[_buf, lb + k, pl.ds(cb, L)]
                        w = plsc.load_gather(t_v, [idx])
                        v1 = plsc.bitcast(w & mask_hi, jnp.float32)
                        v0 = plsc.bitcast(w << 16, jnp.float32)
                        j = k % NACC
                        accs[2 * j] = accs[2 * j] + v0
                        accs[2 * j + 1] = accs[2 * j + 1] + v1
                    return tuple(accs)

                z = jnp.zeros((L,), jnp.float32)
                res = lax.fori_loop(0, HIST // U, l_body, (z,) * (2 * NACC))
                evens = list(res[0::2])
                odds = list(res[1::2])
                while len(evens) > 1:
                    evens = [a + b for a, b in zip(evens[::2], evens[1::2])] + (
                        [evens[-1]] if len(evens) % 2 else [])
                    odds = [a + b for a, b in zip(odds[::2], odds[1::2])] + (
                        [odds[-1]] if len(odds) % 2 else [])
                a0 = evens[0]
                a1 = odds[0]
                g2 = _c * CH + g
                doff = (g2 // 8) * 256 + (g2 % 8) * L
                out_v[pl.ds(doff, L)] = a0
                out_v[pl.ds(doff + 128, L)] = a1
                return carry

            lax.fori_loop(0, CH, group_body, 0)

        pltpu.sync_copy(
            out_v,
            out_hbm.at[pl.ds(wid * (COLS_PER_W * OUT_DIM),
                             COLS_PER_W * OUT_DIM)])

    return sc_embed


_sc_embed = _make_sc_kernel()


def kernel(x, table, W, b):
    t = _fold_table(table, W, b)
    flat = _sc_embed(x.T, t)
    return (flat.reshape(BATCH // 128, OUT_DIM, 128)
            .transpose(0, 2, 1)
            .reshape(BATCH, OUT_DIM))

# --- scband reference (transcript-rebuilt; emitter-appended) ---
"""Pipeline reference for scband-embedding-model-68307159876032 (READ-ONLY COPY).

The authoritative reference and input builder live on the scoring server;
editing this copy changes nothing except your own understanding.
"""

import jax, jax.numpy as jnp
import numpy as np

NUM_EMB = 1000
EMB_DIM = 10
OUT_DIM = 2
BATCH = 16384
HIST = 200

def setup_inputs(seed: int = 0) -> dict:
    key = jax.random.key(seed)
    k1, k2, k3, k4 = jax.random.split(key, 4)
    x = jax.random.randint(k1, (BATCH, HIST), 0, NUM_EMB, dtype=jnp.int64 if jax.config.jax_enable_x64 else jnp.int32)
    table = jax.random.normal(k2, (NUM_EMB, EMB_DIM), dtype=jnp.float32)
    W = jax.random.normal(k3, (OUT_DIM, EMB_DIM), dtype=jnp.float32) * (1.0 / np.sqrt(EMB_DIM))
    b = jax.random.normal(k4, (OUT_DIM,), dtype=jnp.float32) * (1.0 / np.sqrt(EMB_DIM))
    return {"x": x, "table": table, "W": W, "b": b}

def reference(x, table, W, b):
    # embedding lookup (gather)
    emb = jnp.take(table, x, axis=0)            # [B, L, D]
    pooled = jnp.mean(emb, axis=1)              # [B, D]
    out = pooled @ W.T + b                      # [B, 2]
    return out

if __name__ == "__main__":
    import jax
    _d = setup_inputs()
    print(jax.jit(kernel)(*tuple(_d.values())))

</pallas_src>

<mosaic_0001>
#map = affine_map<(d0, d1) -> (0, 0)>
#map1 = affine_map<(d0, d1) -> (0)>
module attributes {stable_mosaic.version = 14 : i64} {
  func.func @sc_embed(%arg0: i32, %arg1: i32, %arg2: memref<200x16384xi32, #tpu.memory_space<hbm>>, %arg3: memref<1000xi32, #tpu.memory_space<hbm>>, %arg4: memref<32768xf32, #tpu.memory_space<hbm>>, %arg5: memref<1000xi32, #tpu.memory_space<vmem>>, %arg6: memref<2x200x128xi32, #tpu.memory_space<vmem>>, %arg7: memref<1024xf32, #tpu.memory_space<vmem>>, %arg8: memref<!tpu.dma_semaphore, #tpu.memory_space<semaphore_mem>>, %arg9: memref<!tpu.dma_semaphore, #tpu.memory_space<semaphore_mem>>) attributes {dimension_semantics = [#tpu.dimension_semantics<core_parallel>, #tpu.dimension_semantics<subcore_parallel>], iteration_bounds = array<i64: 2, 16>, scalar_prefetch = 0 : i64, scratch_operands = 5 : i64, tpu.core_type = #tpu.core_type<sc_vector_subcore>, window_params = [{transform_indices = #map}, {transform_indices = #map1}, {transform_indices = #map1}]} {
    %mul3A = arith.constant 2 : i32
    %mul3A_0 = arith.muli %arg1, %mul3A : i32
    %add3A = arith.addi %mul3A_0, %arg0 : i32
    %mul3A_1 = arith.constant 512 : i32
    %mul3A_2 = arith.muli %add3A, %mul3A_1 : i32
    "tpu.region"() ({
      %run_scoped3A = tpu.sem_alloc : memref<!tpu.dma_semaphore, #tpu.memory_space<semaphore_mem>>
      tpu.enqueue_dma source(%arg3 : memref<1000xi32, #tpu.memory_space<hbm>>) target(%arg5 : memref<1000xi32, #tpu.memory_space<vmem>>) target_semaphore(%run_scoped3A : memref<!tpu.dma_semaphore, #tpu.memory_space<semaphore_mem>>)
      tpu.wait_dma2 semaphore(%run_scoped3A : memref<!tpu.dma_semaphore, #tpu.memory_space<semaphore_mem>>) src(%arg3 : memref<1000xi32, #tpu.memory_space<hbm>>) dst(%arg5 : memref<1000xi32, #tpu.memory_space<vmem>>)
      tpu.yield
    }) : () -> ()
    %add3A_3 = arith.constant 0 : i32
    %add3A_4 = arith.addi %mul3A_2, %add3A_3 : i32
    %dma_start3A = arith.constant 0 : i32
    %dma_start3A_5 = arith.constant 0 : i32
    %dma_start3A_6 = arith.constant 0 : i32
    %dma_start3A_7 = tpu.memref_slice %arg6[%dma_start3A, %dma_start3A_5, %dma_start3A_6] : memref<2x200x128xi32, #tpu.memory_space<vmem>> -> memref<1x200x128xi32, #tpu.memory_space<vmem>>
    %dma_start3A_8 = tpu.memref_squeeze %dma_start3A_7 : memref<1x200x128xi32, #tpu.memory_space<vmem>> -> memref<200x128xi32, #tpu.memory_space<vmem>>
    %dma_start3A_9 = arith.constant 0 : i32
    %dma_start3A_10 = tpu.memref_slice %arg2[%dma_start3A_9, %add3A_4] : memref<200x16384xi32, #tpu.memory_space<hbm>> -> memref<200x128xi32, #tpu.memory_space<hbm>>
    %dma_start3A_11 = arith.constant 0 : i32
    %dma_start3A_12 = arith.constant 0 : i32
    %dma_start3A_13 = tpu.memref_slice %arg6[%dma_start3A, %dma_start3A_11, %dma_start3A_12] : memref<2x200x128xi32, #tpu.memory_space<vmem>> -> memref<1x200x128xi32, #tpu.memory_space<vmem>>
    %dma_start3A_14 = tpu.memref_squeeze %dma_start3A_13 : memref<1x200x128xi32, #tpu.memory_space<vmem>> -> memref<200x128xi32, #tpu.memory_space<vmem>>
    %dma_start3A_15 = arith.constant 0 : i32
    %dma_start3A_16 = tpu.memref_slice %arg2[%dma_start3A_15, %add3A_4] : memref<200x16384xi32, #tpu.memory_space<hbm>> -> memref<200x128xi32, #tpu.memory_space<hbm>>
    tpu.enqueue_dma source(%dma_start3A_16 : memref<200x128xi32, #tpu.memory_space<hbm>>) target(%dma_start3A_14 : memref<200x128xi32, #tpu.memory_space<vmem>>) target_semaphore(%arg8 : memref<!tpu.dma_semaphore, #tpu.memory_space<semaphore_mem>>)
    %dma_wait3A = arith.constant 0 : i32
    %dma_wait3A_17 = arith.constant 0 : i32
    %dma_wait3A_18 = arith.constant 0 : i32
    %dma_wait3A_19 = tpu.memref_slice %arg6[%dma_wait3A, %dma_wait3A_17, %dma_wait3A_18] : memref<2x200x128xi32, #tpu.memory_space<vmem>> -> memref<1x200x128xi32, #tpu.memory_space<vmem>>
    %dma_wait3A_20 = tpu.memref_squeeze %dma_wait3A_19 : memref<1x200x128xi32, #tpu.memory_space<vmem>> -> memref<200x128xi32, #tpu.memory_space<vmem>>
    %dma_wait3A_21 = arith.constant 0 : i32
    %dma_wait3A_22 = tpu.memref_slice %arg2[%dma_wait3A_21, %add3A_4] : memref<200x16384xi32, #tpu.memory_space<hbm>> -> memref<200x128xi32, #tpu.memory_space<hbm>>
    %dma_wait3A_23 = arith.constant 0 : i32
    %dma_wait3A_24 = arith.constant 0 : i32
    %dma_wait3A_25 = tpu.memref_slice %arg6[%dma_wait3A, %dma_wait3A_23, %dma_wait3A_24] : memref<2x200x128xi32, #tpu.memory_space<vmem>> -> memref<1x200x128xi32, #tpu.memory_space<vmem>>
    %dma_wait3A_26 = tpu.memref_squeeze %dma_wait3A_25 : memref<1x200x128xi32, #tpu.memory_space<vmem>> -> memref<200x128xi32, #tpu.memory_space<vmem>>
    %dma_wait3A_27 = arith.constant 0 : i32
    %dma_wait3A_28 = tpu.memref_slice %arg2[%dma_wait3A_27, %add3A_4] : memref<200x16384xi32, #tpu.memory_space<hbm>> -> memref<200x128xi32, #tpu.memory_space<hbm>>
    tpu.wait_dma2 semaphore(%arg8 : memref<!tpu.dma_semaphore, #tpu.memory_space<semaphore_mem>>) src(%dma_wait3A_28 : memref<200x128xi32, #tpu.memory_space<hbm>>) dst(%dma_wait3A_26 : memref<200x128xi32, #tpu.memory_space<vmem>>)
    %add3A_29 = arith.constant 128 : i32
    %add3A_30 = arith.addi %mul3A_2, %add3A_29 : i32
    %dma_start3A_31 = arith.constant 1 : i32
    %dma_start3A_32 = arith.constant 0 : i32
    %dma_start3A_33 = arith.constant 0 : i32
    %dma_start3A_34 = tpu.memref_slice %arg6[%dma_start3A_31, %dma_start3A_32, %dma_start3A_33] : memref<2x200x128xi32, #tpu.memory_space<vmem>> -> memref<1x200x128xi32, #tpu.memory_space<vmem>>
    %dma_start3A_35 = tpu.memref_squeeze %dma_start3A_34 : memref<1x200x128xi32, #tpu.memory_space<vmem>> -> memref<200x128xi32, #tpu.memory_space<vmem>>
    %dma_start3A_36 = arith.constant 0 : i32
    %dma_start3A_37 = tpu.memref_slice %arg2[%dma_start3A_36, %add3A_30] : memref<200x16384xi32, #tpu.memory_space<hbm>> -> memref<200x128xi32, #tpu.memory_space<hbm>>
    %dma_start3A_38 = arith.constant 0 : i32
    %dma_start3A_39 = arith.constant 0 : i32
    %dma_start3A_40 = tpu.memref_slice %arg6[%dma_start3A_31, %dma_start3A_38, %dma_start3A_39] : memref<2x200x128xi32, #tpu.memory_space<vmem>> -> memref<1x200x128xi32, #tpu.memory_space<vmem>>
    %dma_start3A_41 = tpu.memref_squeeze %dma_start3A_40 : memref<1x200x128xi32, #tpu.memory_space<vmem>> -> memref<200x128xi32, #tpu.memory_space<vmem>>
    %dma_start3A_42 = arith.constant 0 : i32
    %dma_start3A_43 = tpu.memref_slice %arg2[%dma_start3A_42, %add3A_30] : memref<200x16384xi32, #tpu.memory_space<hbm>> -> memref<200x128xi32, #tpu.memory_space<hbm>>
    tpu.enqueue_dma source(%dma_start3A_43 : memref<200x128xi32, #tpu.memory_space<hbm>>) target(%dma_start3A_41 : memref<200x128xi32, #tpu.memory_space<vmem>>) target_semaphore(%arg9 : memref<!tpu.dma_semaphore, #tpu.memory_space<semaphore_mem>>)
    %scan3A = arith.constant 0 : i32
    %scan3A_44 = arith.constant -65536 : i32
    %scan3A_45 = arith.constant 0 : i32
    %scan3A_46 = arith.constant 8 : i32
    %scan3A_47 = arith.addi %scan3A_45, %scan3A_46 : i32
    %scan3A_48 = arith.constant 1 : i32
    scf.for %scan3A_142 = %scan3A_45 to %scan3A_47 step %scan3A_48  : i32 {
      %mul3A_143 = arith.constant 16 : i32
      %mul3A_144 = arith.muli %scan3A_142, %mul3A_143 : i32
      %broadcast_in_dim3A = arith.constant 0.000000e+00 : f32
      %broadcast_in_dim3A_145 = vector.broadcast %broadcast_in_dim3A : f32 to vector<16xf32>
      %scan3A_146 = arith.constant 0 : i32
      %scan3A_147 = arith.constant 20 : i32
      %scan3A_148 = arith.addi %scan3A_146, %scan3A_147 : i32
      %scan3A_149 = arith.constant 1 : i32
      %scan3A_150:10 = scf.for %scan3A_202 = %scan3A_146 to %scan3A_148 step %scan3A_149 iter_args(%scan3A_203 = %broadcast_in_dim3A_145, %scan3A_204 = %broadcast_in_dim3A_145, %scan3A_205 = %broadcast_in_dim3A_145, %scan3A_206 = %broadcast_in_dim3A_145, %scan3A_207 = %broadcast_in_dim3A_145, %scan3A_208 = %broadcast_in_dim3A_145, %scan3A_209 = %broadcast_in_dim3A_145, %scan3A_210 = %broadcast_in_dim3A_145, %scan3A_211 = %broadcast_in_dim3A_145, %scan3A_212 = %broadcast_in_dim3A_145) -> (vector<16xf32>, vector<16xf32>, vector<16xf32>, vector<16xf32>, vector<16xf32>, vector<16xf32>, vector<16xf32>, vector<16xf32>, vector<16xf32>, vector<16xf32>)  : i32 {
        %mul3A_213 = arith.constant 10 : i32
        %mul3A_214 = arith.muli %scan3A_202, %mul3A_213 : i32
        %add3A_215 = arith.constant 0 : i32
        %add3A_216 = arith.addi %mul3A_214, %add3A_215 : i32
        %get3A = arith.constant 0 : i32
        %get3A_217 = arith.index_cast %get3A : i32 to index
        %get3A_218 = arith.index_cast %add3A_216 : i32 to index
        %get3A_219 = arith.index_cast %mul3A_144 : i32 to index
        %get3A_220 = tpu.vector_load %arg6[%get3A_217, %get3A_218, %get3A_219] {strides = array<i32>} : memref<2x200x128xi32, #tpu.memory_space<vmem>>, vector<16xi32>,
        %gather3A = tpu.vector_load_idx %arg5[%get3A_220] : memref<1000xi32, #tpu.memory_space<vmem>>[vector<16xi32>], vector<16xi32>,
        %and3A_221 = vector.broadcast %scan3A_44 : i32 to vector<16xi32>
        %and3A_222 = arith.andi %gather3A, %and3A_221 : vector<16xi32>
        %bitcast3A = vector.bitcast %and3A_222 : vector<16xi32> to vector<16xf32>
        %shift_left3A = arith.constant 16 : i32
        %shift_left3A_223 = vector.broadcast %shift_left3A : i32 to vector<16xi32>
        %shift_left3A_224 = arith.shli %gather3A, %shift_left3A_223 : vector<16xi32>
        %bitcast3A_225 = vector.bitcast %shift_left3A_224 : vector<16xi32> to vector<16xf32>
        %add3A_226 = arith.addf %scan3A_203, %bitcast3A_225 : vector<16xf32>
        %add3A_227 = arith.addf %scan3A_204, %bitcast3A : vector<16xf32>
        %add3A_228 = arith.constant 1 : i32
        %add3A_229 = arith.addi %mul3A_214, %add3A_228 : i32
        %get3A_230 = arith.constant 0 : i32
        %get3A_231 = arith.index_cast %get3A_230 : i32 to index
        %get3A_232 = arith.index_cast %add3A_229 : i32 to index
        %get3A_233 = arith.index_cast %mul3A_144 : i32 to index
        %get3A_234 = tpu.vector_load %arg6[%get3A_231, %get3A_232, %get3A_233] {strides = array<i32>} : memref<2x200x128xi32, #tpu.memory_space<vmem>>, vector<16xi32>,
        %gather3A_235 = tpu.vector_load_idx %arg5[%get3A_234] : memref<1000xi32, #tpu.memory_space<vmem>>[vector<16xi32>], vector<16xi32>,
        %and3A_236 = vector.broadcast %scan3A_44 : i32 to vector<16xi32>
        %and3A_237 = arith.andi %gather3A_235, %and3A_236 : vector<16xi32>
        %bitcast3A_238 = vector.bitcast %and3A_237 : vector<16xi32> to vector<16xf32>
        %shift_left3A_239 = arith.constant 16 : i32
        %shift_left3A_240 = vector.broadcast %shift_left3A_239 : i32 to vector<16xi32>
        %shift_left3A_241 = arith.shli %gather3A_235, %shift_left3A_240 : vector<16xi32>
        %bitcast3A_242 = vector.bitcast %shift_left3A_241 : vector<16xi32> to vector<16xf32>
        %add3A_243 = arith.addf %scan3A_205, %bitcast3A_242 : vector<16xf32>
        %add3A_244 = arith.addf %scan3A_206, %bitcast3A_238 : vector<16xf32>
        %add3A_245 = arith.constant 2 : i32
        %add3A_246 = arith.addi %mul3A_214, %add3A_245 : i32
        %get3A_247 = arith.constant 0 : i32
        %get3A_248 = arith.index_cast %get3A_247 : i32 to index
        %get3A_249 = arith.index_cast %add3A_246 : i32 to index
        %get3A_250 = arith.index_cast %mul3A_144 : i32 to index
        %get3A_251 = tpu.vector_load %arg6[%get3A_248, %get3A_249, %get3A_250] {strides = array<i32>} : memref<2x200x128xi32, #tpu.memory_space<vmem>>, vector<16xi32>,
        %gather3A_252 = tpu.vector_load_idx %arg5[%get3A_251] : memref<1000xi32, #tpu.memory_space<vmem>>[vector<16xi32>], vector<16xi32>,
        %and3A_253 = vector.broadcast %scan3A_44 : i32 to vector<16xi32>
        %and3A_254 = arith.andi %gather3A_252, %and3A_253 : vector<16xi32>
        %bitcast3A_255 = vector.bitcast %and3A_254 : vector<16xi32> to vector<16xf32>
        %shift_left3A_256 = arith.constant 16 : i32
        %shift_left3A_257 = vector.broadcast %shift_left3A_256 : i32 to vector<16xi32>
        %shift_left3A_258 = arith.shli %gather3A_252, %shift_left3A_257 : vector<16xi32>
        %bitcast3A_259 = vector.bitcast %shift_left3A_258 : vector<16xi32> to vector<16xf32>
        %add3A_260 = arith.addf %scan3A_207, %bitcast3A_259 : vector<16xf32>
        %add3A_261 = arith.addf %scan3A_208, %bitcast3A_255 : vector<16xf32>
        %add3A_262 = arith.constant 3 : i32
        %add3A_263 = arith.addi %mul3A_214, %add3A_262 : i32
        %get3A_264 = arith.constant 0 : i32
        %get3A_265 = arith.index_cast %get3A_264 : i32 to index
        %get3A_266 = arith.index_cast %add3A_263 : i32 to index
        %get3A_267 = arith.index_cast %mul3A_144 : i32 to index
        %get3A_268 = tpu.vector_load %arg6[%get3A_265, %get3A_266, %get3A_267] {strides = array<i32>} : memref<2x200x128xi32, #tpu.memory_space<vmem>>, vector<16xi32>,
        %gather3A_269 = tpu.vector_load_idx %arg5[%get3A_268] : memref<1000xi32, #tpu.memory_space<vmem>>[vector<16xi32>], vector<16xi32>,
        %and3A_270 = vector.broadcast %scan3A_44 : i32 to vector<16xi32>
        %and3A_271 = arith.andi %gather3A_269, %and3A_270 : vector<16xi32>
        %bitcast3A_272 = vector.bitcast %and3A_271 : vector<16xi32> to vector<16xf32>
        %shift_left3A_273 = arith.constant 16 : i32
        %shift_left3A_274 = vector.broadcast %shift_left3A_273 : i32 to vector<16xi32>
        %shift_left3A_275 = arith.shli %gather3A_269, %shift_left3A_274 : vector<16xi32>
        %bitcast3A_276 = vector.bitcast %shift_left3A_275 : vector<16xi32> to vector<16xf32>
        %add3A_277 = arith.addf %scan3A_209, %bitcast3A_276 : vector<16xf32>
        %add3A_278 = arith.addf %scan3A_210, %bitcast3A_272 : vector<16xf32>
        %add3A_279 = arith.constant 4 : i32
        %add3A_280 = arith.addi %mul3A_214, %add3A_279 : i32
        %get3A_281 = arith.constant 0 : i32
        %get3A_282 = arith.index_cast %get3A_281 : i32 to index
        %get3A_283 = arith.index_cast %add3A_280 : i32 to index
        %get3A_284 = arith.index_cast %mul3A_144 : i32 to index
        %get3A_285 = tpu.vector_load %arg6[%get3A_282, %get3A_283, %get3A_284] {strides = array<i32>} : memref<2x200x128xi32, #tpu.memory_space<vmem>>, vector<16xi32>,
        %gather3A_286 = tpu.vector_load_idx %arg5[%get3A_285] : memref<1000xi32, #tpu.memory_space<vmem>>[vector<16xi32>], vector<16xi32>,
        %and3A_287 = vector.broadcast %scan3A_44 : i32 to vector<16xi32>
        %and3A_288 = arith.andi %gather3A_286, %and3A_287 : vector<16xi32>
        %bitcast3A_289 = vector.bitcast %and3A_288 : vector<16xi32> to vector<16xf32>
        %shift_left3A_290 = arith.constant 16 : i32
        %shift_left3A_291 = vector.broadcast %shift_left3A_290 : i32 to vector<16xi32>
        %shift_left3A_292 = arith.shli %gather3A_286, %shift_left3A_291 : vector<16xi32>
        %bitcast3A_293 = vector.bitcast %shift_left3A_292 : vector<16xi32> to vector<16xf32>
        %add3A_294 = arith.addf %scan3A_211, %bitcast3A_293 : vector<16xf32>
        %add3A_295 = arith.addf %scan3A_212, %bitcast3A_289 : vector<16xf32>
        %add3A_296 = arith.constant 5 : i32
        %add3A_297 = arith.addi %mul3A_214, %add3A_296 : i32
        %get3A_298 = arith.constant 0 : i32
        %get3A_299 = arith.index_cast %get3A_298 : i32 to index
        %get3A_300 = arith.index_cast %add3A_297 : i32 to index
        %get3A_301 = arith.index_cast %mul3A_144 : i32 to index
        %get3A_302 = tpu.vector_load %arg6[%get3A_299, %get3A_300, %get3A_301] {strides = array<i32>} : memref<2x200x128xi32, #tpu.memory_space<vmem>>, vector<16xi32>,
        %gather3A_303 = tpu.vector_load_idx %arg5[%get3A_302] : memref<1000xi32, #tpu.memory_space<vmem>>[vector<16xi32>], vector<16xi32>,
        %and3A_304 = vector.broadcast %scan3A_44 : i32 to vector<16xi32>
        %and3A_305 = arith.andi %gather3A_303, %and3A_304 : vector<16xi32>
        %bitcast3A_306 = vector.bitcast %and3A_305 : vector<16xi32> to vector<16xf32>
        %shift_left3A_307 = arith.constant 16 : i32
        %shift_left3A_308 = vector.broadcast %shift_left3A_307 : i32 to vector<16xi32>
        %shift_left3A_309 = arith.shli %gather3A_303, %shift_left3A_308 : vector<16xi32>
        %bitcast3A_310 = vector.bitcast %shift_left3A_309 : vector<16xi32> to vector<16xf32>
        %add3A_311 = arith.addf %add3A_226, %bitcast3A_310 : vector<16xf32>
        %add3A_312 = arith.addf %add3A_227, %bitcast3A_306 : vector<16xf32>
        %add3A_313 = arith.constant 6 : i32
        %add3A_314 = arith.addi %mul3A_214, %add3A_313 : i32
        %get3A_315 = arith.constant 0 : i32
        %get3A_316 = arith.index_cast %get3A_315 : i32 to index
        %get3A_317 = arith.index_cast %add3A_314 : i32 to index
        %get3A_318 = arith.index_cast %mul3A_144 : i32 to index
        %get3A_319 = tpu.vector_load %arg6[%get3A_316, %get3A_317, %get3A_318] {strides = array<i32>} : memref<2x200x128xi32, #tpu.memory_space<vmem>>, vector<16xi32>,
        %gather3A_320 = tpu.vector_load_idx %arg5[%get3A_319] : memref<1000xi32, #tpu.memory_space<vmem>>[vector<16xi32>], vector<16xi32>,
        %and3A_321 = vector.broadcast %scan3A_44 : i32 to vector<16xi32>
        %and3A_322 = arith.andi %gather3A_320, %and3A_321 : vector<16xi32>
        %bitcast3A_323 = vector.bitcast %and3A_322 : vector<16xi32> to vector<16xf32>
        %shift_left3A_324 = arith.constant 16 : i32
        %shift_left3A_325 = vector.broadcast %shift_left3A_324 : i32 to vector<16xi32>
        %shift_left3A_326 = arith.shli %gather3A_320, %shift_left3A_325 : vector<16xi32>
        %bitcast3A_327 = vector.bitcast %shift_left3A_326 : vector<16xi32> to vector<16xf32>
        %add3A_328 = arith.addf %add3A_243, %bitcast3A_327 : vector<16xf32>
        %add3A_329 = arith.addf %add3A_244, %bitcast3A_323 : vector<16xf32>
        %add3A_330 = arith.constant 7 : i32
        %add3A_331 = arith.addi %mul3A_214, %add3A_330 : i32
        %get3A_332 = arith.constant 0 : i32
        %get3A_333 = arith.index_cast %get3A_332 : i32 to index
        %get3A_334 = arith.index_cast %add3A_331 : i32 to index
        %get3A_335 = arith.index_cast %mul3A_144 : i32 to index
        %get3A_336 = tpu.vector_load %arg6[%get3A_333, %get3A_334, %get3A_335] {strides = array<i32>} : memref<2x200x128xi32, #tpu.memory_space<vmem>>, vector<16xi32>,
        %gather3A_337 = tpu.vector_load_idx %arg5[%get3A_336] : memref<1000xi32, #tpu.memory_space<vmem>>[vector<16xi32>], vector<16xi32>,
        %and3A_338 = vector.broadcast %scan3A_44 : i32 to vector<16xi32>
        %and3A_339 = arith.andi %gather3A_337, %and3A_338 : vector<16xi32>
        %bitcast3A_340 = vector.bitcast %and3A_339 : vector<16xi32> to vector<16xf32>
        %shift_left3A_341 = arith.constant 16 : i32
        %shift_left3A_342 = vector.broadcast %shift_left3A_341 : i32 to vector<16xi32>
        %shift_left3A_343 = arith.shli %gather3A_337, %shift_left3A_342 : vector<16xi32>
        %bitcast3A_344 = vector.bitcast %shift_left3A_343 : vector<16xi32> to vector<16xf32>
        %add3A_345 = arith.addf %add3A_260, %bitcast3A_344 : vector<16xf32>
        %add3A_346 = arith.addf %add3A_261, %bitcast3A_340 : vector<16xf32>
        %add3A_347 = arith.constant 8 : i32
        %add3A_348 = arith.addi %mul3A_214, %add3A_347 : i32
        %get3A_349 = arith.constant 0 : i32
        %get3A_350 = arith.index_cast %get3A_349 : i32 to index
        %get3A_351 = arith.index_cast %add3A_348 : i32 to index
        %get3A_352 = arith.index_cast %mul3A_144 : i32 to index
        %get3A_353 = tpu.vector_load %arg6[%get3A_350, %get3A_351, %get3A_352] {strides = array<i32>} : memref<2x200x128xi32, #tpu.memory_space<vmem>>, vector<16xi32>,
        %gather3A_354 = tpu.vector_load_idx %arg5[%get3A_353] : memref<1000xi32, #tpu.memory_space<vmem>>[vector<16xi32>], vector<16xi32>,
        %and3A_355 = vector.broadcast %scan3A_44 : i32 to vector<16xi32>
        %and3A_356 = arith.andi %gather3A_354, %and3A_355 : vector<16xi32>
        %bitcast3A_357 = vector.bitcast %and3A_356 : vector<16xi32> to vector<16xf32>
        %shift_left3A_358 = arith.constant 16 : i32
        %shift_left3A_359 = vector.broadcast %shift_left3A_358 : i32 to vector<16xi32>
        %shift_left3A_360 = arith.shli %gather3A_354, %shift_left3A_359 : vector<16xi32>
        %bitcast3A_361 = vector.bitcast %shift_left3A_360 : vector<16xi32> to vector<16xf32>
        %add3A_362 = arith.addf %add3A_277, %bitcast3A_361 : vector<16xf32>
        %add3A_363 = arith.addf %add3A_278, %bitcast3A_357 : vector<16xf32>
        %add3A_364 = arith.constant 9 : i32
        %add3A_365 = arith.addi %mul3A_214, %add3A_364 : i32
        %get3A_366 = arith.constant 0 : i32
        %get3A_367 = arith.index_cast %get3A_366 : i32 to index
        %get3A_368 = arith.index_cast %add3A_365 : i32 to index
        %get3A_369 = arith.index_cast %mul3A_144 : i32 to index
        %get3A_370 = tpu.vector_load %arg6[%get3A_367, %get3A_368, %get3A_369] {strides = array<i32>} : memref<2x200x128xi32, #tpu.memory_space<vmem>>, vector<16xi32>,
        %gather3A_371 = tpu.vector_load_idx %arg5[%get3A_370] : memref<1000xi32, #tpu.memory_space<vmem>>[vector<16xi32>], vector<16xi32>,
        %and3A_372 = vector.broadcast %scan3A_44 : i32 to vector<16xi32>
        %and3A_373 = arith.andi %gather3A_371, %and3A_372 : vector<16xi32>
        %bitcast3A_374 = vector.bitcast %and3A_373 : vector<16xi32> to vector<16xf32>
        %shift_left3A_375 = arith.constant 16 : i32
        %shift_left3A_376 = vector.broadcast %shift_left3A_375 : i32 to vector<16xi32>
        %shift_left3A_377 = arith.shli %gather3A_371, %shift_left3A_376 : vector<16xi32>
        %bitcast3A_378 = vector.bitcast %shift_left3A_377 : vector<16xi32> to vector<16xf32>
        %add3A_379 = arith.addf %add3A_294, %bitcast3A_378 : vector<16xf32>
        %add3A_380 = arith.addf %add3A_295, %bitcast3A_374 : vector<16xf32>
        scf.yield %add3A_311, %add3A_312, %add3A_328, %add3A_329, %add3A_345, %add3A_346, %add3A_362, %add3A_363, %add3A_379, %add3A_380 : vector<16xf32>, vector<16xf32>, vector<16xf32>, vector<16xf32>, vector<16xf32>, vector<16xf32>, vector<16xf32>, vector<16xf32>, vector<16xf32>, vector<16xf32>
      }
      %scan3A_151 = arith.constant 20 : i32
      %add3A_152 = arith.addf %scan3A_150#0, %scan3A_150#2 : vector<16xf32>
      %add3A_153 = arith.addf %scan3A_150#4, %scan3A_150#6 : vector<16xf32>
      %add3A_154 = arith.addf %scan3A_150#1, %scan3A_150#3 : vector<16xf32>
      %add3A_155 = arith.addf %scan3A_150#5, %scan3A_150#7 : vector<16xf32>
      %add3A_156 = arith.addf %add3A_152, %add3A_153 : vector<16xf32>
      %add3A_157 = arith.addf %add3A_154, %add3A_155 : vector<16xf32>
      %add3A_158 = arith.addf %add3A_156, %scan3A_150#8 : vector<16xf32>
      %add3A_159 = arith.addf %add3A_157, %scan3A_150#9 : vector<16xf32>
      %add3A_160 = arith.constant 0 : i32
      %add3A_161 = arith.addi %add3A_160, %scan3A_142 : i32
      %jit3A = arith.constant 8 : i32
      %div3A = arith.divsi %add3A_161, %jit3A : i32
      %sign3A = arith.constant 0 : i32
      %sign3A_162 = arith.cmpi sgt, %add3A_161, %sign3A : i32
      %sign3A_163 = arith.extui %sign3A_162 : i1 to i32
      %sign3A_164 = arith.constant 0 : i32
      %sign3A_165 = arith.cmpi slt, %add3A_161, %sign3A_164 : i32
      %sign3A_166 = arith.extui %sign3A_165 : i1 to i32
      %sign3A_167 = arith.subi %sign3A_163, %sign3A_166 : i32
      %sign3A_168 = arith.constant 0 : i32
      %sign3A_169 = arith.cmpi sgt, %jit3A, %sign3A_168 : i32
      %sign3A_170 = arith.extui %sign3A_169 : i1 to i32
      %sign3A_171 = arith.constant 0 : i32
      %sign3A_172 = arith.cmpi slt, %jit3A, %sign3A_171 : i32
      %sign3A_173 = arith.extui %sign3A_172 : i1 to i32
      %sign3A_174 = arith.subi %sign3A_170, %sign3A_173 : i32
      %ne3A = arith.cmpi ne, %sign3A_167, %sign3A_174 : i32
      %rem3A = arith.remsi %add3A_161, %jit3A : i32
      %ne3A_175 = arith.constant 0 : i32
      %ne3A_176 = arith.cmpi ne, %rem3A, %ne3A_175 : i32
      %and3A = arith.andi %ne3A, %ne3A_176 : i1
      %sub3A = arith.constant 1 : i32
      %sub3A_177 = arith.subi %div3A, %sub3A : i32
      %select_n3A = arith.select %and3A, %sub3A_177, %div3A : i32
      %mul3A_178 = arith.constant 256 : i32
      %mul3A_179 = arith.muli %select_n3A, %mul3A_178 : i32
      %jit3A_180 = arith.constant 8 : i32
      %eq3A = arith.constant 0 : i32
      %eq3A_181 = arith.cmpi eq, %jit3A_180, %eq3A : i32
      %jit3A_182 = arith.constant 1 : i32
      %select_n3A_183 = arith.select %eq3A_181, %jit3A_182, %jit3A_180 : i32
      %rem3A_184 = arith.remsi %add3A_161, %select_n3A_183 : i32
      %ne3A_185 = arith.constant 0 : i32
      %ne3A_186 = arith.cmpi ne, %rem3A_184, %ne3A_185 : i32
      %lt3A = arith.constant 0 : i32
      %lt3A_187 = arith.cmpi slt, %rem3A_184, %lt3A : i32
      %lt3A_188 = arith.constant 0 : i32
      %lt3A_189 = arith.cmpi slt, %select_n3A_183, %lt3A_188 : i32
      %ne3A_190 = arith.xori %lt3A_187, %lt3A_189 : i1
      %and3A_191 = arith.andi %ne3A_190, %ne3A_186 : i1
      %add3A_192 = arith.addi %rem3A_184, %select_n3A_183 : i32
      %select_n3A_193 = arith.select %and3A_191, %add3A_192, %rem3A_184 : i32
      %mul3A_194 = arith.constant 16 : i32
      %mul3A_195 = arith.muli %select_n3A_193, %mul3A_194 : i32
      %add3A_196 = arith.addi %mul3A_179, %mul3A_195 : i32
      %swap3A = arith.index_cast %add3A_196 : i32 to index
      %swap3A_197 = tpu.vector_load %arg7[%swap3A] {strides = array<i32>} : memref<1024xf32, #tpu.memory_space<vmem>>, vector<16xf32>,
      tpu.vector_store %arg7[%swap3A], %add3A_158 {strides = array<i32>} : memref<1024xf32, #tpu.memory_space<vmem>>, vector<16xf32>,
      %add3A_198 = arith.constant 128 : i32
      %add3A_199 = arith.addi %add3A_196, %add3A_198 : i32
      %swap3A_200 = arith.index_cast %add3A_199 : i32 to index
      %swap3A_201 = tpu.vector_load %arg7[%swap3A_200] {strides = array<i32>} : memref<1024xf32, #tpu.memory_space<vmem>>, vector<16xf32>,
      tpu.vector_store %arg7[%swap3A_200], %add3A_159 {strides = array<i32>} : memref<1024xf32, #tpu.memory_space<vmem>>, vector<16xf32>,
    }
    %scan3A_49 = arith.constant 8 : i32
    %dma_wait3A_50 = arith.constant 1 : i32
    %dma_wait3A_51 = arith.constant 0 : i32
    %dma_wait3A_52 = arith.constant 0 : i32
    %dma_wait3A_53 = tpu.memref_slice %arg6[%dma_wait3A_50, %dma_wait3A_51, %dma_wait3A_52] : memref<2x200x128xi32, #tpu.memory_space<vmem>> -> memref<1x200x128xi32, #tpu.memory_space<vmem>>
    %dma_wait3A_54 = tpu.memref_squeeze %dma_wait3A_53 : memref<1x200x128xi32, #tpu.memory_space<vmem>> -> memref<200x128xi32, #tpu.memory_space<vmem>>
    %dma_wait3A_55 = arith.constant 0 : i32
    %dma_wait3A_56 = tpu.memref_slice %arg2[%dma_wait3A_55, %add3A_30] : memref<200x16384xi32, #tpu.memory_space<hbm>> -> memref<200x128xi32, #tpu.memory_space<hbm>>
    %dma_wait3A_57 = arith.constant 0 : i32
    %dma_wait3A_58 = arith.constant 0 : i32
    %dma_wait3A_59 = tpu.memref_slice %arg6[%dma_wait3A_50, %dma_wait3A_57, %dma_wait3A_58] : memref<2x200x128xi32, #tpu.memory_space<vmem>> -> memref<1x200x128xi32, #tpu.memory_space<vmem>>
    %dma_wait3A_60 = tpu.memref_squeeze %dma_wait3A_59 : memref<1x200x128xi32, #tpu.memory_space<vmem>> -> memref<200x128xi32, #tpu.memory_space<vmem>>
    %dma_wait3A_61 = arith.constant 0 : i32
    %dma_wait3A_62 = tpu.memref_slice %arg2[%dma_wait3A_61, %add3A_30] : memref<200x16384xi32, #tpu.memory_space<hbm>> -> memref<200x128xi32, #tpu.memory_space<hbm>>
    tpu.wait_dma2 semaphore(%arg9 : memref<!tpu.dma_semaphore, #tpu.memory_space<semaphore_mem>>) src(%dma_wait3A_62 : memref<200x128xi32, #tpu.memory_space<hbm>>) dst(%dma_wait3A_60 : memref<200x128xi32, #tpu.memory_space<vmem>>)
    %add3A_63 = arith.constant 256 : i32
    %add3A_64 = arith.addi %mul3A_2, %add3A_63 : i32
    %dma_start3A_65 = arith.constant 0 : i32
    %dma_start3A_66 = arith.constant 0 : i32
    %dma_start3A_67 = arith.constant 0 : i32
    %dma_start3A_68 = tpu.memref_slice %arg6[%dma_start3A_65, %dma_start3A_66, %dma_start3A_67] : memref<2x200x128xi32, #tpu.memory_space<vmem>> -> memref<1x200x128xi32, #tpu.memory_space<vmem>>
    %dma_start3A_69 = tpu.memref_squeeze %dma_start3A_68 : memref<1x200x128xi32, #tpu.memory_space<vmem>> -> memref<200x128xi32, #tpu.memory_space<vmem>>
    %dma_start3A_70 = arith.constant 0 : i32
    %dma_start3A_71 = tpu.memref_slice %arg2[%dma_start3A_70, %add3A_64] : memref<200x16384xi32, #tpu.memory_space<hbm>> -> memref<200x128xi32, #tpu.memory_space<hbm>>
    %dma_start3A_72 = arith.constant 0 : i32
    %dma_start3A_73 = arith.constant 0 : i32
    %dma_start3A_74 = tpu.memref_slice %arg6[%dma_start3A_65, %dma_start3A_72, %dma_start3A_73] : memref<2x200x128xi32, #tpu.memory_space<vmem>> -> memref<1x200x128xi32, #tpu.memory_space<vmem>>
    %dma_start3A_75 = tpu.memref_squeeze %dma_start3A_74 : memref<1x200x128xi32, #tpu.memory_space<vmem>> -> memref<200x128xi32, #tpu.memory_space<vmem>>
    %dma_start3A_76 = arith.constant 0 : i32
    %dma_start3A_77 = tpu.memref_slice %arg2[%dma_start3A_76, %add3A_64] : memref<200x16384xi32, #tpu.memory_space<hbm>> -> memref<200x128xi32, #tpu.memory_space<hbm>>
    tpu.enqueue_dma source(%dma_start3A_77 : memref<200x128xi32, #tpu.memory_space<hbm>>) target(%dma_start3A_75 : memref<200x128xi32, #tpu.memory_space<vmem>>) target_semaphore(%arg8 : memref<!tpu.dma_semaphore, #tpu.memory_space<semaphore_mem>>)
    %scan3A_78 = arith.constant 0 : i32
    %scan3A_79 = arith.constant -65536 : i32
    %scan3A_80 = arith.constant 0 : i32
    %scan3A_81 = arith.constant 8 : i32
    %scan3A_82 = arith.addi %scan3A_80, %scan3A_81 : i32
    %scan3A_83 = arith.constant 1 : i32
    scf.for %scan3A_142 = %scan3A_80 to %scan3A_82 step %scan3A_83  : i32 {
      %mul3A_143 = arith.constant 16 : i32
      %mul3A_144 = arith.muli %scan3A_142, %mul3A_143 : i32
      %broadcast_in_dim3A = arith.constant 0.000000e+00 : f32
      %broadcast_in_dim3A_145 = vector.broadcast %broadcast_in_dim3A : f32 to vector<16xf32>
      %scan3A_146 = arith.constant 0 : i32
      %scan3A_147 = arith.constant 20 : i32
      %scan3A_148 = arith.addi %scan3A_146, %scan3A_147 : i32
      %scan3A_149 = arith.constant 1 : i32
      %scan3A_150:10 = scf.for %scan3A_202 = %scan3A_146 to %scan3A_148 step %scan3A_149 iter_args(%scan3A_203 = %broadcast_in_dim3A_145, %scan3A_204 = %broadcast_in_dim3A_145, %scan3A_205 = %broadcast_in_dim3A_145, %scan3A_206 = %broadcast_in_dim3A_145, %scan3A_207 = %broadcast_in_dim3A_145, %scan3A_208 = %broadcast_in_dim3A_145, %scan3A_209 = %broadcast_in_dim3A_145, %scan3A_210 = %broadcast_in_dim3A_145, %scan3A_211 = %broadcast_in_dim3A_145, %scan3A_212 = %broadcast_in_dim3A_145) -> (vector<16xf32>, vector<16xf32>, vector<16xf32>, vector<16xf32>, vector<16xf32>, vector<16xf32>, vector<16xf32>, vector<16xf32>, vector<16xf32>, vector<16xf32>)  : i32 {
        %mul3A_213 = arith.constant 10 : i32
        %mul3A_214 = arith.muli %scan3A_202, %mul3A_213 : i32
        %add3A_215 = arith.constant 0 : i32
        %add3A_216 = arith.addi %mul3A_214, %add3A_215 : i32
        %get3A = arith.constant 1 : i32
        %get3A_217 = arith.index_cast %get3A : i32 to index
        %get3A_218 = arith.index_cast %add3A_216 : i32 to index
        %get3A_219 = arith.index_cast %mul3A_144 : i32 to index
        %get3A_220 = tpu.vector_load %arg6[%get3A_217, %get3A_218, %get3A_219] {strides = array<i32>} : memref<2x200x128xi32, #tpu.memory_space<vmem>>, vector<16xi32>,
        %gather3A = tpu.vector_load_idx %arg5[%get3A_220] : memref<1000xi32, #tpu.memory_space<vmem>>[vector<16xi32>], vector<16xi32>,
        %and3A_221 = vector.broadcast %scan3A_79 : i32 to vector<16xi32>
        %and3A_222 = arith.andi %gather3A, %and3A_221 : vector<16xi32>
        %bitcast3A = vector.bitcast %and3A_222 : vector<16xi32> to vector<16xf32>
        %shift_left3A = arith.constant 16 : i32
        %shift_left3A_223 = vector.broadcast %shift_left3A : i32 to vector<16xi32>
        %shift_left3A_224 = arith.shli %gather3A, %shift_left3A_223 : vector<16xi32>
        %bitcast3A_225 = vector.bitcast %shift_left3A_224 : vector<16xi32> to vector<16xf32>
        %add3A_226 = arith.addf %scan3A_203, %bitcast3A_225 : vector<16xf32>
        %add3A_227 = arith.addf %scan3A_204, %bitcast3A : vector<16xf32>
        %add3A_228 = arith.constant 1 : i32
        %add3A_229 = arith.addi %mul3A_214, %add3A_228 : i32
        %get3A_230 = arith.constant 1 : i32
        %get3A_231 = arith.index_cast %get3A_230 : i32 to index
        %get3A_232 = arith.index_cast %add3A_229 : i32 to index
        %get3A_233 = arith.index_cast %mul3A_144 : i32 to index
        %get3A_234 = tpu.vector_load %arg6[%get3A_231, %get3A_232, %get3A_233] {strides = array<i32>} : memref<2x200x128xi32, #tpu.memory_space<vmem>>, vector<16xi32>,
        %gather3A_235 = tpu.vector_load_idx %arg5[%get3A_234] : memref<1000xi32, #tpu.memory_space<vmem>>[vector<16xi32>], vector<16xi32>,
        %and3A_236 = vector.broadcast %scan3A_79 : i32 to vector<16xi32>
        %and3A_237 = arith.andi %gather3A_235, %and3A_236 : vector<16xi32>
        %bitcast3A_238 = vector.bitcast %and3A_237 : vector<16xi32> to vector<16xf32>
        %shift_left3A_239 = arith.constant 16 : i32
        %shift_left3A_240 = vector.broadcast %shift_left3A_239 : i32 to vector<16xi32>
        %shift_left3A_241 = arith.shli %gather3A_235, %shift_left3A_240 : vector<16xi32>
        %bitcast3A_242 = vector.bitcast %shift_left3A_241 : vector<16xi32> to vector<16xf32>
        %add3A_243 = arith.addf %scan3A_205, %bitcast3A_242 : vector<16xf32>
        %add3A_244 = arith.addf %scan3A_206, %bitcast3A_238 : vector<16xf32>
        %add3A_245 = arith.constant 2 : i32
        %add3A_246 = arith.addi %mul3A_214, %add3A_245 : i32
        %get3A_247 = arith.constant 1 : i32
        %get3A_248 = arith.index_cast %get3A_247 : i32 to index
        %get3A_249 = arith.index_cast %add3A_246 : i32 to index
        %get3A_250 = arith.index_cast %mul3A_144 : i32 to index
        %get3A_251 = tpu.vector_load %arg6[%get3A_248, %get3A_249, %get3A_250] {strides = array<i32>} : memref<2x200x128xi32, #tpu.memory_space<vmem>>, vector<16xi32>,
        %gather3A_252 = tpu.vector_load_idx %arg5[%get3A_251] : memref<1000xi32, #tpu.memory_space<vmem>>[vector<16xi32>], vector<16xi32>,
        %and3A_253 = vector.broadcast %scan3A_79 : i32 to vector<16xi32>
        %and3A_254 = arith.andi %gather3A_252, %and3A_253 : vector<16xi32>
        %bitcast3A_255 = vector.bitcast %and3A_254 : vector<16xi32> to vector<16xf32>
        %shift_left3A_256 = arith.constant 16 : i32
        %shift_left3A_257 = vector.broadcast %shift_left3A_256 : i32 to vector<16xi32>
        %shift_left3A_258 = arith.shli %gather3A_252, %shift_left3A_257 : vector<16xi32>
        %bitcast3A_259 = vector.bitcast %shift_left3A_258 : vector<16xi32> to vector<16xf32>
        %add3A_260 = arith.addf %scan3A_207, %bitcast3A_259 : vector<16xf32>
        %add3A_261 = arith.addf %scan3A_208, %bitcast3A_255 : vector<16xf32>
        %add3A_262 = arith.constant 3 : i32
        %add3A_263 = arith.addi %mul3A_214, %add3A_262 : i32
        %get3A_264 = arith.constant 1 : i32
        %get3A_265 = arith.index_cast %get3A_264 : i32 to index
        %get3A_266 = arith.index_cast %add3A_263 : i32 to index
        %get3A_267 = arith.index_cast %mul3A_144 : i32 to index
        %get3A_268 = tpu.vector_load %arg6[%get3A_265, %get3A_266, %get3A_267] {strides = array<i32>} : memref<2x200x128xi32, #tpu.memory_space<vmem>>, vector<16xi32>,
        %gather3A_269 = tpu.vector_load_idx %arg5[%get3A_268] : memref<1000xi32, #tpu.memory_space<vmem>>[vector<16xi32>], vector<16xi32>,
        %and3A_270 = vector.broadcast %scan3A_79 : i32 to vector<16xi32>
        %and3A_271 = arith.andi %gather3A_269, %and3A_270 : vector<16xi32>
        %bitcast3A_272 = vector.bitcast %and3A_271 : vector<16xi32> to vector<16xf32>
        %shift_left3A_273 = arith.constant 16 : i32
        %shift_left3A_274 = vector.broadcast %shift_left3A_273 : i32 to vector<16xi32>
        %shift_left3A_275 = arith.shli %gather3A_269, %shift_left3A_274 : vector<16xi32>
        %bitcast3A_276 = vector.bitcast %shift_left3A_275 : vector<16xi32> to vector<16xf32>
        %add3A_277 = arith.addf %scan3A_209, %bitcast3A_276 : vector<16xf32>
        %add3A_278 = arith.addf %scan3A_210, %bitcast3A_272 : vector<16xf32>
        %add3A_279 = arith.constant 4 : i32
        %add3A_280 = arith.addi %mul3A_214, %add3A_279 : i32
        %get3A_281 = arith.constant 1 : i32
        %get3A_282 = arith.index_cast %get3A_281 : i32 to index
        %get3A_283 = arith.index_cast %add3A_280 : i32 to index
        %get3A_284 = arith.index_cast %mul3A_144 : i32 to index
        %get3A_285 = tpu.vector_load %arg6[%get3A_282, %get3A_283, %get3A_284] {strides = array<i32>} : memref<2x200x128xi32, #tpu.memory_space<vmem>>, vector<16xi32>,
        %gather3A_286 = tpu.vector_load_idx %arg5[%get3A_285] : memref<1000xi32, #tpu.memory_space<vmem>>[vector<16xi32>], vector<16xi32>,
        %and3A_287 = vector.broadcast %scan3A_79 : i32 to vector<16xi32>
        %and3A_288 = arith.andi %gather3A_286, %and3A_287 : vector<16xi32>
        %bitcast3A_289 = vector.bitcast %and3A_288 : vector<16xi32> to vector<16xf32>
        %shift_left3A_290 = arith.constant 16 : i32
        %shift_left3A_291 = vector.broadcast %shift_left3A_290 : i32 to vector<16xi32>
        %shift_left3A_292 = arith.shli %gather3A_286, %shift_left3A_291 : vector<16xi32>
        %bitcast3A_293 = vector.bitcast %shift_left3A_292 : vector<16xi32> to vector<16xf32>
        %add3A_294 = arith.addf %scan3A_211, %bitcast3A_293 : vector<16xf32>
        %add3A_295 = arith.addf %scan3A_212, %bitcast3A_289 : vector<16xf32>
        %add3A_296 = arith.constant 5 : i32
        %add3A_297 = arith.addi %mul3A_214, %add3A_296 : i32
        %get3A_298 = arith.constant 1 : i32
        %get3A_299 = arith.index_cast %get3A_298 : i32 to index
        %get3A_300 = arith.index_cast %add3A_297 : i32 to index
        %get3A_301 = arith.index_cast %mul3A_144 : i32 to index
        %get3A_302 = tpu.vector_load %arg6[%get3A_299, %get3A_300, %get3A_301] {strides = array<i32>} : memref<2x200x128xi32, #tpu.memory_space<vmem>>, vector<16xi32>,
        %gather3A_303 = tpu.vector_load_idx %arg5[%get3A_302] : memref<1000xi32, #tpu.memory_space<vmem>>[vector<16xi32>], vector<16xi32>,
        %and3A_304 = vector.broadcast %scan3A_79 : i32 to vector<16xi32>
        %and3A_305 = arith.andi %gather3A_303, %and3A_304 : vector<16xi32>
        %bitcast3A_306 = vector.bitcast %and3A_305 : vector<16xi32> to vector<16xf32>
        %shift_left3A_307 = arith.constant 16 : i32
        %shift_left3A_308 = vector.broadcast %shift_left3A_307 : i32 to vector<16xi32>
        %shift_left3A_309 = arith.shli %gather3A_303, %shift_left3A_308 : vector<16xi32>
        %bitcast3A_310 = vector.bitcast %shift_left3A_309 : vector<16xi32> to vector<16xf32>
        %add3A_311 = arith.addf %add3A_226, %bitcast3A_310 : vector<16xf32>
        %add3A_312 = arith.addf %add3A_227, %bitcast3A_306 : vector<16xf32>
        %add3A_313 = arith.constant 6 : i32
        %add3A_314 = arith.addi %mul3A_214, %add3A_313 : i32
        %get3A_315 = arith.constant 1 : i32
        %get3A_316 = arith.index_cast %get3A_315 : i32 to index
        %get3A_317 = arith.index_cast %add3A_314 : i32 to index
        %get3A_318 = arith.index_cast %mul3A_144 : i32 to index
        %get3A_319 = tpu.vector_load %arg6[%get3A_316, %get3A_317, %get3A_318] {strides = array<i32>} : memref<2x200x128xi32, #tpu.memory_space<vmem>>, vector<16xi32>,
        %gather3A_320 = tpu.vector_load_idx %arg5[%get3A_319] : memref<1000xi32, #tpu.memory_space<vmem>>[vector<16xi32>], vector<16xi32>,
        %and3A_321 = vector.broadcast %scan3A_79 : i32 to vector<16xi32>
        %and3A_322 = arith.andi %gather3A_320, %and3A_321 : vector<16xi32>
        %bitcast3A_323 = vector.bitcast %and3A_322 : vector<16xi32> to vector<16xf32>
        %shift_left3A_324 = arith.constant 16 : i32
        %shift_left3A_325 = vector.broadcast %shift_left3A_324 : i32 to vector<16xi32>
        %shift_left3A_326 = arith.shli %gather3A_320, %shift_left3A_325 : vector<16xi32>
        %bitcast3A_327 = vector.bitcast %shift_left3A_326 : vector<16xi32> to vector<16xf32>
        %add3A_328 = arith.addf %add3A_243, %bitcast3A_327 : vector<16xf32>
        %add3A_329 = arith.addf %add3A_244, %bitcast3A_323 : vector<16xf32>
        %add3A_330 = arith.constant 7 : i32
        %add3A_331 = arith.addi %mul3A_214, %add3A_330 : i32
        %get3A_332 = arith.constant 1 : i32
        %get3A_333 = arith.index_cast %get3A_332 : i32 to index
        %get3A_334 = arith.index_cast %add3A_331 : i32 to index
        %get3A_335 = arith.index_cast %mul3A_144 : i32 to index
        %get3A_336 = tpu.vector_load %arg6[%get3A_333, %get3A_334, %get3A_335] {strides = array<i32>} : memref<2x200x128xi32, #tpu.memory_space<vmem>>, vector<16xi32>,
        %gather3A_337 = tpu.vector_load_idx %arg5[%get3A_336] : memref<1000xi32, #tpu.memory_space<vmem>>[vector<16xi32>], vector<16xi32>,
        %and3A_338 = vector.broadcast %scan3A_79 : i32 to vector<16xi32>
        %and3A_339 = arith.andi %gather3A_337, %and3A_338 : vector<16xi32>
        %bitcast3A_340 = vector.bitcast %and3A_339 : vector<16xi32> to vector<16xf32>
        %shift_left3A_341 = arith.constant 16 : i32
        %shift_left3A_342 = vector.broadcast %shift_left3A_341 : i32 to vector<16xi32>
        %shift_left3A_343 = arith.shli %gather3A_337, %shift_left3A_342 : vector<16xi32>
        %bitcast3A_344 = vector.bitcast %shift_left3A_343 : vector<16xi32> to vector<16xf32>
        %add3A_345 = arith.addf %add3A_260, %bitcast3A_344 : vector<16xf32>
        %add3A_346 = arith.addf %add3A_261, %bitcast3A_340 : vector<16xf32>
        %add3A_347 = arith.constant 8 : i32
        %add3A_348 = arith.addi %mul3A_214, %add3A_347 : i32
        %get3A_349 = arith.constant 1 : i32
        %get3A_350 = arith.index_cast %get3A_349 : i32 to index
        %get3A_351 = arith.index_cast %add3A_348 : i32 to index
        %get3A_352 = arith.index_cast %mul3A_144 : i32 to index
        %get3A_353 = tpu.vector_load %arg6[%get3A_350, %get3A_351, %get3A_352] {strides = array<i32>} : memref<2x200x128xi32, #tpu.memory_space<vmem>>, vector<16xi32>,
        %gather3A_354 = tpu.vector_load_idx %arg5[%get3A_353] : memref<1000xi32, #tpu.memory_space<vmem>>[vector<16xi32>], vector<16xi32>,
        %and3A_355 = vector.broadcast %scan3A_79 : i32 to vector<16xi32>
        %and3A_356 = arith.andi %gather3A_354, %and3A_355 : vector<16xi32>
        %bitcast3A_357 = vector.bitcast %and3A_356 : vector<16xi32> to vector<16xf32>
        %shift_left3A_358 = arith.constant 16 : i32
        %shift_left3A_359 = vector.broadcast %shift_left3A_358 : i32 to vector<16xi32>
        %shift_left3A_360 = arith.shli %gather3A_354, %shift_left3A_359 : vector<16xi32>
        %bitcast3A_361 = vector.bitcast %shift_left3A_360 : vector<16xi32> to vector<16xf32>
        %add3A_362 = arith.addf %add3A_277, %bitcast3A_361 : vector<16xf32>
        %add3A_363 = arith.addf %add3A_278, %bitcast3A_357 : vector<16xf32>
        %add3A_364 = arith.constant 9 : i32
        %add3A_365 = arith.addi %mul3A_214, %add3A_364 : i32
        %get3A_366 = arith.constant 1 : i32
        %get3A_367 = arith.index_cast %get3A_366 : i32 to index
        %get3A_368 = arith.index_cast %add3A_365 : i32 to index
        %get3A_369 = arith.index_cast %mul3A_144 : i32 to index
        %get3A_370 = tpu.vector_load %arg6[%get3A_367, %get3A_368, %get3A_369] {strides = array<i32>} : memref<2x200x128xi32, #tpu.memory_space<vmem>>, vector<16xi32>,
        %gather3A_371 = tpu.vector_load_idx %arg5[%get3A_370] : memref<1000xi32, #tpu.memory_space<vmem>>[vector<16xi32>], vector<16xi32>,
        %and3A_372 = vector.broadcast %scan3A_79 : i32 to vector<16xi32>
        %and3A_373 = arith.andi %gather3A_371, %and3A_372 : vector<16xi32>
        %bitcast3A_374 = vector.bitcast %and3A_373 : vector<16xi32> to vector<16xf32>
        %shift_left3A_375 = arith.constant 16 : i32
        %shift_left3A_376 = vector.broadcast %shift_left3A_375 : i32 to vector<16xi32>
        %shift_left3A_377 = arith.shli %gather3A_371, %shift_left3A_376 : vector<16xi32>
        %bitcast3A_378 = vector.bitcast %shift_left3A_377 : vector<16xi32> to vector<16xf32>
        %add3A_379 = arith.addf %add3A_294, %bitcast3A_378 : vector<16xf32>
        %add3A_380 = arith.addf %add3A_295, %bitcast3A_374 : vector<16xf32>
        scf.yield %add3A_311, %add3A_312, %add3A_328, %add3A_329, %add3A_345, %add3A_346, %add3A_362, %add3A_363, %add3A_379, %add3A_380 : vector<16xf32>, vector<16xf32>, vector<16xf32>, vector<16xf32>, vector<16xf32>, vector<16xf32>, vector<16xf32>, vector<16xf32>, vector<16xf32>, vector<16xf32>
      }
      %scan3A_151 = arith.constant 20 : i32
      %add3A_152 = arith.addf %scan3A_150#0, %scan3A_150#2 : vector<16xf32>
      %add3A_153 = arith.addf %scan3A_150#4, %scan3A_150#6 : vector<16xf32>
      %add3A_154 = arith.addf %scan3A_150#1, %scan3A_150#3 : vector<16xf32>
      %add3A_155 = arith.addf %scan3A_150#5, %scan3A_150#7 : vector<16xf32>
      %add3A_156 = arith.addf %add3A_152, %add3A_153 : vector<16xf32>
      %add3A_157 = arith.addf %add3A_154, %add3A_155 : vector<16xf32>
      %add3A_158 = arith.addf %add3A_156, %scan3A_150#8 : vector<16xf32>
      %add3A_159 = arith.addf %add3A_157, %scan3A_150#9 : vector<16xf32>
      %add3A_160 = arith.constant 8 : i32
      %add3A_161 = arith.addi %add3A_160, %scan3A_142 : i32
      %jit3A = arith.constant 8 : i32
      %div3A = arith.divsi %add3A_161, %jit3A : i32
      %sign3A = arith.constant 0 : i32
      %sign3A_162 = arith.cmpi sgt, %add3A_161, %sign3A : i32
      %sign3A_163 = arith.extui %sign3A_162 : i1 to i32
      %sign3A_164 = arith.constant 0 : i32
      %sign3A_165 = arith.cmpi slt, %add3A_161, %sign3A_164 : i32
      %sign3A_166 = arith.extui %sign3A_165 : i1 to i32
      %sign3A_167 = arith.subi %sign3A_163, %sign3A_166 : i32
      %sign3A_168 = arith.constant 0 : i32
      %sign3A_169 = arith.cmpi sgt, %jit3A, %sign3A_168 : i32
      %sign3A_170 = arith.extui %sign3A_169 : i1 to i32
      %sign3A_171 = arith.constant 0 : i32
      %sign3A_172 = arith.cmpi slt, %jit3A, %sign3A_171 : i32
      %sign3A_173 = arith.extui %sign3A_172 : i1 to i32
      %sign3A_174 = arith.subi %sign3A_170, %sign3A_173 : i32
      %ne3A = arith.cmpi ne, %sign3A_167, %sign3A_174 : i32
      %rem3A = arith.remsi %add3A_161, %jit3A : i32
      %ne3A_175 = arith.constant 0 : i32
      %ne3A_176 = arith.cmpi ne, %rem3A, %ne3A_175 : i32
      %and3A = arith.andi %ne3A, %ne3A_176 : i1
      %sub3A = arith.constant 1 : i32
      %sub3A_177 = arith.subi %div3A, %sub3A : i32
      %select_n3A = arith.select %and3A, %sub3A_177, %div3A : i32
      %mul3A_178 = arith.constant 256 : i32
      %mul3A_179 = arith.muli %select_n3A, %mul3A_178 : i32
      %jit3A_180 = arith.constant 8 : i32
      %eq3A = arith.constant 0 : i32
      %eq3A_181 = arith.cmpi eq, %jit3A_180, %eq3A : i32
      %jit3A_182 = arith.constant 1 : i32
      %select_n3A_183 = arith.select %eq3A_181, %jit3A_182, %jit3A_180 : i32
      %rem3A_184 = arith.remsi %add3A_161, %select_n3A_183 : i32
      %ne3A_185 = arith.constant 0 : i32
      %ne3A_186 = arith.cmpi ne, %rem3A_184, %ne3A_185 : i32
      %lt3A = arith.constant 0 : i32
      %lt3A_187 = arith.cmpi slt, %rem3A_184, %lt3A : i32
      %lt3A_188 = arith.constant 0 : i32
      %lt3A_189 = arith.cmpi slt, %select_n3A_183, %lt3A_188 : i32
      %ne3A_190 = arith.xori %lt3A_187, %lt3A_189 : i1
      %and3A_191 = arith.andi %ne3A_190, %ne3A_186 : i1
      %add3A_192 = arith.addi %rem3A_184, %select_n3A_183 : i32
      %select_n3A_193 = arith.select %and3A_191, %add3A_192, %rem3A_184 : i32
      %mul3A_194 = arith.constant 16 : i32
      %mul3A_195 = arith.muli %select_n3A_193, %mul3A_194 : i32
      %add3A_196 = arith.addi %mul3A_179, %mul3A_195 : i32
      %swap3A = arith.index_cast %add3A_196 : i32 to index
      %swap3A_197 = tpu.vector_load %arg7[%swap3A] {strides = array<i32>} : memref<1024xf32, #tpu.memory_space<vmem>>, vector<16xf32>,
      tpu.vector_store %arg7[%swap3A], %add3A_158 {strides = array<i32>} : memref<1024xf32, #tpu.memory_space<vmem>>, vector<16xf32>,
      %add3A_198 = arith.constant 128 : i32
      %add3A_199 = arith.addi %add3A_196, %add3A_198 : i32
      %swap3A_200 = arith.index_cast %add3A_199 : i32 to index
      %swap3A_201 = tpu.vector_load %arg7[%swap3A_200] {strides = array<i32>} : memref<1024xf32, #tpu.memory_space<vmem>>, vector<16xf32>,
      tpu.vector_store %arg7[%swap3A_200], %add3A_159 {strides = array<i32>} : memref<1024xf32, #tpu.memory_space<vmem>>, vector<16xf32>,
    }
    %scan3A_84 = arith.constant 8 : i32
    %dma_wait3A_85 = arith.constant 0 : i32
    %dma_wait3A_86 = arith.constant 0 : i32
    %dma_wait3A_87 = arith.constant 0 : i32
    %dma_wait3A_88 = tpu.memref_slice %arg6[%dma_wait3A_85, %dma_wait3A_86, %dma_wait3A_87] : memref<2x200x128xi32, #tpu.memory_space<vmem>> -> memref<1x200x128xi32, #tpu.memory_space<vmem>>
    %dma_wait3A_89 = tpu.memref_squeeze %dma_wait3A_88 : memref<1x200x128xi32, #tpu.memory_space<vmem>> -> memref<200x128xi32, #tpu.memory_space<vmem>>
    %dma_wait3A_90 = arith.constant 0 : i32
    %dma_wait3A_91 = tpu.memref_slice %arg2[%dma_wait3A_90, %add3A_64] : memref<200x16384xi32, #tpu.memory_space<hbm>> -> memref<200x128xi32, #tpu.memory_space<hbm>>
    %dma_wait3A_92 = arith.constant 0 : i32
    %dma_wait3A_93 = arith.constant 0 : i32
    %dma_wait3A_94 = tpu.memref_slice %arg6[%dma_wait3A_85, %dma_wait3A_92, %dma_wait3A_93] : memref<2x200x128xi32, #tpu.memory_space<vmem>> -> memref<1x200x128xi32, #tpu.memory_space<vmem>>
    %dma_wait3A_95 = tpu.memref_squeeze %dma_wait3A_94 : memref<1x200x128xi32, #tpu.memory_space<vmem>> -> memref<200x128xi32, #tpu.memory_space<vmem>>
    %dma_wait3A_96 = arith.constant 0 : i32
    %dma_wait3A_97 = tpu.memref_slice %arg2[%dma_wait3A_96, %add3A_64] : memref<200x16384xi32, #tpu.memory_space<hbm>> -> memref<200x128xi32, #tpu.memory_space<hbm>>
    tpu.wait_dma2 semaphore(%arg8 : memref<!tpu.dma_semaphore, #tpu.memory_space<semaphore_mem>>) src(%dma_wait3A_97 : memref<200x128xi32, #tpu.memory_space<hbm>>) dst(%dma_wait3A_95 : memref<200x128xi32, #tpu.memory_space<vmem>>)
    %add3A_98 = arith.constant 384 : i32
    %add3A_99 = arith.addi %mul3A_2, %add3A_98 : i32
    %dma_start3A_100 = arith.constant 1 : i32
    %dma_start3A_101 = arith.constant 0 : i32
    %dma_start3A_102 = arith.constant 0 : i32
    %dma_start3A_103 = tpu.memref_slice %arg6[%dma_start3A_100, %dma_start3A_101, %dma_start3A_102] : memref<2x200x128xi32, #tpu.memory_space<vmem>> -> memref<1x200x128xi32, #tpu.memory_space<vmem>>
    %dma_start3A_104 = tpu.memref_squeeze %dma_start3A_103 : memref<1x200x128xi32, #tpu.memory_space<vmem>> -> memref<200x128xi32, #tpu.memory_space<vmem>>
    %dma_start3A_105 = arith.constant 0 : i32
    %dma_start3A_106 = tpu.memref_slice %arg2[%dma_start3A_105, %add3A_99] : memref<200x16384xi32, #tpu.memory_space<hbm>> -> memref<200x128xi32, #tpu.memory_space<hbm>>
    %dma_start3A_107 = arith.constant 0 : i32
    %dma_start3A_108 = arith.constant 0 : i32
    %dma_start3A_109 = tpu.memref_slice %arg6[%dma_start3A_100, %dma_start3A_107, %dma_start3A_108] : memref<2x200x128xi32, #tpu.memory_space<vmem>> -> memref<1x200x128xi32, #tpu.memory_space<vmem>>
    %dma_start3A_110 = tpu.memref_squeeze %dma_start3A_109 : memref<1x200x128xi32, #tpu.memory_space<vmem>> -> memref<200x128xi32, #tpu.memory_space<vmem>>
    %dma_start3A_111 = arith.constant 0 : i32
    %dma_start3A_112 = tpu.memref_slice %arg2[%dma_start3A_111, %add3A_99] : memref<200x16384xi32, #tpu.memory_space<hbm>> -> memref<200x128xi32, #tpu.memory_space<hbm>>
    tpu.enqueue_dma source(%dma_start3A_112 : memref<200x128xi32, #tpu.memory_space<hbm>>) target(%dma_start3A_110 : memref<200x128xi32, #tpu.memory_space<vmem>>) target_semaphore(%arg9 : memref<!tpu.dma_semaphore, #tpu.memory_space<semaphore_mem>>)
    %scan3A_113 = arith.constant 0 : i32
    %scan3A_114 = arith.constant -65536 : i32
    %scan3A_115 = arith.constant 0 : i32
    %scan3A_116 = arith.constant 8 : i32
    %scan3A_117 = arith.addi %scan3A_115, %scan3A_116 : i32
    %scan3A_118 = arith.constant 1 : i32
    scf.for %scan3A_142 = %scan3A_115 to %scan3A_117 step %scan3A_118  : i32 {
      %mul3A_143 = arith.constant 16 : i32
      %mul3A_144 = arith.muli %scan3A_142, %mul3A_143 : i32
      %broadcast_in_dim3A = arith.constant 0.000000e+00 : f32
      %broadcast_in_dim3A_145 = vector.broadcast %broadcast_in_dim3A : f32 to vector<16xf32>
      %scan3A_146 = arith.constant 0 : i32
      %scan3A_147 = arith.constant 20 : i32
      %scan3A_148 = arith.addi %scan3A_146, %scan3A_147 : i32
      %scan3A_149 = arith.constant 1 : i32
      %scan3A_150:10 = scf.for %scan3A_202 = %scan3A_146 to %scan3A_148 step %scan3A_149 iter_args(%scan3A_203 = %broadcast_in_dim3A_145, %scan3A_204 = %broadcast_in_dim3A_145, %scan3A_205 = %broadcast_in_dim3A_145, %scan3A_206 = %broadcast_in_dim3A_145, %scan3A_207 = %broadcast_in_dim3A_145, %scan3A_208 = %broadcast_in_dim3A_145, %scan3A_209 = %broadcast_in_dim3A_145, %scan3A_210 = %broadcast_in_dim3A_145, %scan3A_211 = %broadcast_in_dim3A_145, %scan3A_212 = %broadcast_in_dim3A_145) -> (vector<16xf32>, vector<16xf32>, vector<16xf32>, vector<16xf32>, vector<16xf32>, vector<16xf32>, vector<16xf32>, vector<16xf32>, vector<16xf32>, vector<16xf32>)  : i32 {
        %mul3A_213 = arith.constant 10 : i32
        %mul3A_214 = arith.muli %scan3A_202, %mul3A_213 : i32
        %add3A_215 = arith.constant 0 : i32
        %add3A_216 = arith.addi %mul3A_214, %add3A_215 : i32
        %get3A = arith.constant 0 : i32
        %get3A_217 = arith.index_cast %get3A : i32 to index
        %get3A_218 = arith.index_cast %add3A_216 : i32 to index
        %get3A_219 = arith.index_cast %mul3A_144 : i32 to index
        %get3A_220 = tpu.vector_load %arg6[%get3A_217, %get3A_218, %get3A_219] {strides = array<i32>} : memref<2x200x128xi32, #tpu.memory_space<vmem>>, vector<16xi32>,
        %gather3A = tpu.vector_load_idx %arg5[%get3A_220] : memref<1000xi32, #tpu.memory_space<vmem>>[vector<16xi32>], vector<16xi32>,
        %and3A_221 = vector.broadcast %scan3A_114 : i32 to vector<16xi32>
        %and3A_222 = arith.andi %gather3A, %and3A_221 : vector<16xi32>
        %bitcast3A = vector.bitcast %and3A_222 : vector<16xi32> to vector<16xf32>
        %shift_left3A = arith.constant 16 : i32
        %shift_left3A_223 = vector.broadcast %shift_left3A : i32 to vector<16xi32>
        %shift_left3A_224 = arith.shli %gather3A, %shift_left3A_223 : vector<16xi32>
        %bitcast3A_225 = vector.bitcast %shift_left3A_224 : vector<16xi32> to vector<16xf32>
        %add3A_226 = arith.addf %scan3A_203, %bitcast3A_225 : vector<16xf32>
        %add3A_227 = arith.addf %scan3A_204, %bitcast3A : vector<16xf32>
        %add3A_228 = arith.constant 1 : i32
        %add3A_229 = arith.addi %mul3A_214, %add3A_228 : i32
        %get3A_230 = arith.constant 0 : i32
        %get3A_231 = arith.index_cast %get3A_230 : i32 to index
        %get3A_232 = arith.index_cast %add3A_229 : i32 to index
        %get3A_233 = arith.index_cast %mul3A_144 : i32 to index
        %get3A_234 = tpu.vector_load %arg6[%get3A_231, %get3A_232, %get3A_233] {strides = array<i32>} : memref<2x200x128xi32, #tpu.memory_space<vmem>>, vector<16xi32>,
        %gather3A_235 = tpu.vector_load_idx %arg5[%get3A_234] : memref<1000xi32, #tpu.memory_space<vmem>>[vector<16xi32>], vector<16xi32>,
        %and3A_236 = vector.broadcast %scan3A_114 : i32 to vector<16xi32>
        %and3A_237 = arith.andi %gather3A_235, %and3A_236 : vector<16xi32>
        %bitcast3A_238 = vector.bitcast %and3A_237 : vector<16xi32> to vector<16xf32>
        %shift_left3A_239 = arith.constant 16 : i32
        %shift_left3A_240 = vector.broadcast %shift_left3A_239 : i32 to vector<16xi32>
        %shift_left3A_241 = arith.shli %gather3A_235, %shift_left3A_240 : vector<16xi32>
        %bitcast3A_242 = vector.bitcast %shift_left3A_241 : vector<16xi32> to vector<16xf32>
        %add3A_243 = arith.addf %scan3A_205, %bitcast3A_242 : vector<16xf32>
        %add3A_244 = arith.addf %scan3A_206, %bitcast3A_238 : vector<16xf32>
        %add3A_245 = arith.constant 2 : i32
        %add3A_246 = arith.addi %mul3A_214, %add3A_245 : i32
        %get3A_247 = arith.constant 0 : i32
        %get3A_248 = arith.index_cast %get3A_247 : i32 to index
        %get3A_249 = arith.index_cast %add3A_246 : i32 to index
        %get3A_250 = arith.index_cast %mul3A_144 : i32 to index
        %get3A_251 = tpu.vector_load %arg6[%get3A_248, %get3A_249, %get3A_250] {strides = array<i32>} : memref<2x200x128xi32, #tpu.memory_space<vmem>>, vector<16xi32>,
        %gather3A_252 = tpu.vector_load_idx %arg5[%get3A_251] : memref<1000xi32, #tpu.memory_space<vmem>>[vector<16xi32>], vector<16xi32>,
        %and3A_253 = vector.broadcast %scan3A_114 : i32 to vector<16xi32>
        %and3A_254 = arith.andi %gather3A_252, %and3A_253 : vector<16xi32>
        %bitcast3A_255 = vector.bitcast %and3A_254 : vector<16xi32> to vector<16xf32>
        %shift_left3A_256 = arith.constant 16 : i32
        %shift_left3A_257 = vector.broadcast %shift_left3A_256 : i32 to vector<16xi32>
        %shift_left3A_258 = arith.shli %gather3A_252, %shift_left3A_257 : vector<16xi32>
        %bitcast3A_259 = vector.bitcast %shift_left3A_258 : vector<16xi32> to vector<16xf32>
        %add3A_260 = arith.addf %scan3A_207, %bitcast3A_259 : vector<16xf32>
        %add3A_261 = arith.addf %scan3A_208, %bitcast3A_255 : vector<16xf32>
        %add3A_262 = arith.constant 3 : i32
        %add3A_263 = arith.addi %mul3A_214, %add3A_262 : i32
        %get3A_264 = arith.constant 0 : i32
        %get3A_265 = arith.index_cast %get3A_264 : i32 to index
        %get3A_266 = arith.index_cast %add3A_263 : i32 to index
        %get3A_267 = arith.index_cast %mul3A_144 : i32 to index
        %get3A_268 = tpu.vector_load %arg6[%get3A_265, %get3A_266, %get3A_267] {strides = array<i32>} : memref<2x200x128xi32, #tpu.memory_space<vmem>>, vector<16xi32>,
        %gather3A_269 = tpu.vector_load_idx %arg5[%get3A_268] : memref<1000xi32, #tpu.memory_space<vmem>>[vector<16xi32>], vector<16xi32>,
        %and3A_270 = vector.broadcast %scan3A_114 : i32 to vector<16xi32>
        %and3A_271 = arith.andi %gather3A_269, %and3A_270 : vector<16xi32>
        %bitcast3A_272 = vector.bitcast %and3A_271 : vector<16xi32> to vector<16xf32>
        %shift_left3A_273 = arith.constant 16 : i32
        %shift_left3A_274 = vector.broadcast %shift_left3A_273 : i32 to vector<16xi32>
        %shift_left3A_275 = arith.shli %gather3A_269, %shift_left3A_274 : vector<16xi32>
        %bitcast3A_276 = vector.bitcast %shift_left3A_275 : vector<16xi32> to vector<16xf32>
        %add3A_277 = arith.addf %scan3A_209, %bitcast3A_276 : vector<16xf32>
        %add3A_278 = arith.addf %scan3A_210, %bitcast3A_272 : vector<16xf32>
        %add3A_279 = arith.constant 4 : i32
        %add3A_280 = arith.addi %mul3A_214, %add3A_279 : i32
        %get3A_281 = arith.constant 0 : i32
        %get3A_282 = arith.index_cast %get3A_281 : i32 to index
        %get3A_283 = arith.index_cast %add3A_280 : i32 to index
        %get3A_284 = arith.index_cast %mul3A_144 : i32 to index
        %get3A_285 = tpu.vector_load %arg6[%get3A_282, %get3A_283, %get3A_284] {strides = array<i32>} : memref<2x200x128xi32, #tpu.memory_space<vmem>>, vector<16xi32>,
        %gather3A_286 = tpu.vector_load_idx %arg5[%get3A_285] : memref<1000xi32, #tpu.memory_space<vmem>>[vector<16xi32>], vector<16xi32>,
        %and3A_287 = vector.broadcast %scan3A_114 : i32 to vector<16xi32>
        %and3A_288 = arith.andi %gather3A_286, %and3A_287 : vector<16xi32>
        %bitcast3A_289 = vector.bitcast %and3A_288 : vector<16xi32> to vector<16xf32>
        %shift_left3A_290 = arith.constant 16 : i32
        %shift_left3A_291 = vector.broadcast %shift_left3A_290 : i32 to vector<16xi32>
        %shift_left3A_292 = arith.shli %gather3A_286, %shift_left3A_291 : vector<16xi32>
        %bitcast3A_293 = vector.bitcast %shift_left3A_292 : vector<16xi32> to vector<16xf32>
        %add3A_294 = arith.addf %scan3A_211, %bitcast3A_293 : vector<16xf32>
        %add3A_295 = arith.addf %scan3A_212, %bitcast3A_289 : vector<16xf32>
        %add3A_296 = arith.constant 5 : i32
        %add3A_297 = arith.addi %mul3A_214, %add3A_296 : i32
        %get3A_298 = arith.constant 0 : i32
        %get3A_299 = arith.index_cast %get3A_298 : i32 to index
        %get3A_300 = arith.index_cast %add3A_297 : i32 to index
        %get3A_301 = arith.index_cast %mul3A_144 : i32 to index
        %get3A_302 = tpu.vector_load %arg6[%get3A_299, %get3A_300, %get3A_301] {strides = array<i32>} : memref<2x200x128xi32, #tpu.memory_space<vmem>>, vector<16xi32>,
        %gather3A_303 = tpu.vector_load_idx %arg5[%get3A_302] : memref<1000xi32, #tpu.memory_space<vmem>>[vector<16xi32>], vector<16xi32>,
        %and3A_304 = vector.broadcast %scan3A_114 : i32 to vector<16xi32>
        %and3A_305 = arith.andi %gather3A_303, %and3A_304 : vector<16xi32>
        %bitcast3A_306 = vector.bitcast %and3A_305 : vector<16xi32> to vector<16xf32>
        %shift_left3A_307 = arith.constant 16 : i32
        %shift_left3A_308 = vector.broadcast %shift_left3A_307 : i32 to vector<16xi32>
        %shift_left3A_309 = arith.shli %gather3A_303, %shift_left3A_308 : vector<16xi32>
        %bitcast3A_310 = vector.bitcast %shift_left3A_309 : vector<16xi32> to vector<16xf32>
        %add3A_311 = arith.addf %add3A_226, %bitcast3A_310 : vector<16xf32>
        %add3A_312 = arith.addf %add3A_227, %bitcast3A_306 : vector<16xf32>
        %add3A_313 = arith.constant 6 : i32
        %add3A_314 = arith.addi %mul3A_214, %add3A_313 : i32
        %get3A_315 = arith.constant 0 : i32
        %get3A_316 = arith.index_cast %get3A_315 : i32 to index
        %get3A_317 = arith.index_cast %add3A_314 : i32 to index
        %get3A_318 = arith.index_cast %mul3A_144 : i32 to index
        %get3A_319 = tpu.vector_load %arg6[%get3A_316, %get3A_317, %get3A_318] {strides = array<i32>} : memref<2x200x128xi32, #tpu.memory_space<vmem>>, vector<16xi32>,
        %gather3A_320 = tpu.vector_load_idx %arg5[%get3A_319] : memref<1000xi32, #tpu.memory_space<vmem>>[vector<16xi32>], vector<16xi32>,
        %and3A_321 = vector.broadcast %scan3A_114 : i32 to vector<16xi32>
        %and3A_322 = arith.andi %gather3A_320, %and3A_321 : vector<16xi32>
        %bitcast3A_323 = vector.bitcast %and3A_322 : vector<16xi32> to vector<16xf32>
        %shift_left3A_324 = arith.constant 16 : i32
        %shift_left3A_325 = vector.broadcast %shift_left3A_324 : i32 to vector<16xi32>
        %shift_left3A_326 = arith.shli %gather3A_320, %shift_left3A_325 : vector<16xi32>
        %bitcast3A_327 = vector.bitcast %shift_left3A_326 : vector<16xi32> to vector<16xf32>
        %add3A_328 = arith.addf %add3A_243, %bitcast3A_327 : vector<16xf32>
        %add3A_329 = arith.addf %add3A_244, %bitcast3A_323 : vector<16xf32>
        %add3A_330 = arith.constant 7 : i32
        %add3A_331 = arith.addi %mul3A_214, %add3A_330 : i32
        %get3A_332 = arith.constant 0 : i32
        %get3A_333 = arith.index_cast %get3A_332 : i32 to index
        %get3A_334 = arith.index_cast %add3A_331 : i32 to index
        %get3A_335 = arith.index_cast %mul3A_144 : i32 to index
        %get3A_336 = tpu.vector_load %arg6[%get3A_333, %get3A_334, %get3A_335] {strides = array<i32>} : memref<2x200x128xi32, #tpu.memory_space<vmem>>, vector<16xi32>,
        %gather3A_337 = tpu.vector_load_idx %arg5[%get3A_336] : memref<1000xi32, #tpu.memory_space<vmem>>[vector<16xi32>], vector<16xi32>,
        %and3A_338 = vector.broadcast %scan3A_114 : i32 to vector<16xi32>
        %and3A_339 = arith.andi %gather3A_337, %and3A_338 : vector<16xi32>
        %bitcast3A_340 = vector.bitcast %and3A_339 : vector<16xi32> to vector<16xf32>
        %shift_left3A_341 = arith.constant 16 : i32
        %shift_left3A_342 = vector.broadcast %shift_left3A_341 : i32 to vector<16xi32>
        %shift_left3A_343 = arith.shli %gather3A_337, %shift_left3A_342 : vector<16xi32>
        %bitcast3A_344 = vector.bitcast %shift_left3A_343 : vector<16xi32> to vector<16xf32>
        %add3A_345 = arith.addf %add3A_260, %bitcast3A_344 : vector<16xf32>
        %add3A_346 = arith.addf %add3A_261, %bitcast3A_340 : vector<16xf32>
        %add3A_347 = arith.constant 8 : i32
        %add3A_348 = arith.addi %mul3A_214, %add3A_347 : i32
        %get3A_349 = arith.constant 0 : i32
        %get3A_350 = arith.index_cast %get3A_349 : i32 to index
        %get3A_351 = arith.index_cast %add3A_348 : i32 to index
        %get3A_352 = arith.index_cast %mul3A_144 : i32 to index
        %get3A_353 = tpu.vector_load %arg6[%get3A_350, %get3A_351, %get3A_352] {strides = array<i32>} : memref<2x200x128xi32, #tpu.memory_space<vmem>>, vector<16xi32>,
        %gather3A_354 = tpu.vector_load_idx %arg5[%get3A_353] : memref<1000xi32, #tpu.memory_space<vmem>>[vector<16xi32>], vector<16xi32>,
        %and3A_355 = vector.broadcast %scan3A_114 : i32 to vector<16xi32>
        %and3A_356 = arith.andi %gather3A_354, %and3A_355 : vector<16xi32>
        %bitcast3A_357 = vector.bitcast %and3A_356 : vector<16xi32> to vector<16xf32>
        %shift_left3A_358 = arith.constant 16 : i32
        %shift_left3A_359 = vector.broadcast %shift_left3A_358 : i32 to vector<16xi32>
        %shift_left3A_360 = arith.shli %gather3A_354, %shift_left3A_359 : vector<16xi32>
        %bitcast3A_361 = vector.bitcast %shift_left3A_360 : vector<16xi32> to vector<16xf32>
        %add3A_362 = arith.addf %add3A_277, %bitcast3A_361 : vector<16xf32>
        %add3A_363 = arith.addf %add3A_278, %bitcast3A_357 : vector<16xf32>
        %add3A_364 = arith.constant 9 : i32
        %add3A_365 = arith.addi %mul3A_214, %add3A_364 : i32
        %get3A_366 = arith.constant 0 : i32
        %get3A_367 = arith.index_cast %get3A_366 : i32 to index
        %get3A_368 = arith.index_cast %add3A_365 : i32 to index
        %get3A_369 = arith.index_cast %mul3A_144 : i32 to index
        %get3A_370 = tpu.vector_load %arg6[%get3A_367, %get3A_368, %get3A_369] {strides = array<i32>} : memref<2x200x128xi32, #tpu.memory_space<vmem>>, vector<16xi32>,
        %gather3A_371 = tpu.vector_load_idx %arg5[%get3A_370] : memref<1000xi32, #tpu.memory_space<vmem>>[vector<16xi32>], vector<16xi32>,
        %and3A_372 = vector.broadcast %scan3A_114 : i32 to vector<16xi32>
        %and3A_373 = arith.andi %gather3A_371, %and3A_372 : vector<16xi32>
        %bitcast3A_374 = vector.bitcast %and3A_373 : vector<16xi32> to vector<16xf32>
        %shift_left3A_375 = arith.constant 16 : i32
        %shift_left3A_376 = vector.broadcast %shift_left3A_375 : i32 to vector<16xi32>
        %shift_left3A_377 = arith.shli %gather3A_371, %shift_left3A_376 : vector<16xi32>
        %bitcast3A_378 = vector.bitcast %shift_left3A_377 : vector<16xi32> to vector<16xf32>
        %add3A_379 = arith.addf %add3A_294, %bitcast3A_378 : vector<16xf32>
        %add3A_380 = arith.addf %add3A_295, %bitcast3A_374 : vector<16xf32>
        scf.yield %add3A_311, %add3A_312, %add3A_328, %add3A_329, %add3A_345, %add3A_346, %add3A_362, %add3A_363, %add3A_379, %add3A_380 : vector<16xf32>, vector<16xf32>, vector<16xf32>, vector<16xf32>, vector<16xf32>, vector<16xf32>, vector<16xf32>, vector<16xf32>, vector<16xf32>, vector<16xf32>
      }
      %scan3A_151 = arith.constant 20 : i32
      %add3A_152 = arith.addf %scan3A_150#0, %scan3A_150#2 : vector<16xf32>
      %add3A_153 = arith.addf %scan3A_150#4, %scan3A_150#6 : vector<16xf32>
      %add3A_154 = arith.addf %scan3A_150#1, %scan3A_150#3 : vector<16xf32>
      %add3A_155 = arith.addf %scan3A_150#5, %scan3A_150#7 : vector<16xf32>
      %add3A_156 = arith.addf %add3A_152, %add3A_153 : vector<16xf32>
      %add3A_157 = arith.addf %add3A_154, %add3A_155 : vector<16xf32>
      %add3A_158 = arith.addf %add3A_156, %scan3A_150#8 : vector<16xf32>
      %add3A_159 = arith.addf %add3A_157, %scan3A_150#9 : vector<16xf32>
      %add3A_160 = arith.constant 16 : i32
      %add3A_161 = arith.addi %add3A_160, %scan3A_142 : i32
      %jit3A = arith.constant 8 : i32
      %div3A = arith.divsi %add3A_161, %jit3A : i32
      %sign3A = arith.constant 0 : i32
      %sign3A_162 = arith.cmpi sgt, %add3A_161, %sign3A : i32
      %sign3A_163 = arith.extui %sign3A_162 : i1 to i32
      %sign3A_164 = arith.constant 0 : i32
      %sign3A_165 = arith.cmpi slt, %add3A_161, %sign3A_164 : i32
      %sign3A_166 = arith.extui %sign3A_165 : i1 to i32
      %sign3A_167 = arith.subi %sign3A_163, %sign3A_166 : i32
      %sign3A_168 = arith.constant 0 : i32
      %sign3A_169 = arith.cmpi sgt, %jit3A, %sign3A_168 : i32
      %sign3A_170 = arith.extui %sign3A_169 : i1 to i32
      %sign3A_171 = arith.constant 0 : i32
      %sign3A_172 = arith.cmpi slt, %jit3A, %sign3A_171 : i32
      %sign3A_173 = arith.extui %sign3A_172 : i1 to i32
      %sign3A_174 = arith.subi %sign3A_170, %sign3A_173 : i32
      %ne3A = arith.cmpi ne, %sign3A_167, %sign3A_174 : i32
      %rem3A = arith.remsi %add3A_161, %jit3A : i32
      %ne3A_175 = arith.constant 0 : i32
      %ne3A_176 = arith.cmpi ne, %rem3A, %ne3A_175 : i32
      %and3A = arith.andi %ne3A, %ne3A_176 : i1
      %sub3A = arith.constant 1 : i32
      %sub3A_177 = arith.subi %div3A, %sub3A : i32
      %select_n3A = arith.select %and3A, %sub3A_177, %div3A : i32
      %mul3A_178 = arith.constant 256 : i32
      %mul3A_179 = arith.muli %select_n3A, %mul3A_178 : i32
      %jit3A_180 = arith.constant 8 : i32
      %eq3A = arith.constant 0 : i32
      %eq3A_181 = arith.cmpi eq, %jit3A_180, %eq3A : i32
      %jit3A_182 = arith.constant 1 : i32
      %select_n3A_183 = arith.select %eq3A_181, %jit3A_182, %jit3A_180 : i32
      %rem3A_184 = arith.remsi %add3A_161, %select_n3A_183 : i32
      %ne3A_185 = arith.constant 0 : i32
      %ne3A_186 = arith.cmpi ne, %rem3A_184, %ne3A_185 : i32
      %lt3A = arith.constant 0 : i32
      %lt3A_187 = arith.cmpi slt, %rem3A_184, %lt3A : i32
      %lt3A_188 = arith.constant 0 : i32
      %lt3A_189 = arith.cmpi slt, %select_n3A_183, %lt3A_188 : i32
      %ne3A_190 = arith.xori %lt3A_187, %lt3A_189 : i1
      %and3A_191 = arith.andi %ne3A_190, %ne3A_186 : i1
      %add3A_192 = arith.addi %rem3A_184, %select_n3A_183 : i32
      %select_n3A_193 = arith.select %and3A_191, %add3A_192, %rem3A_184 : i32
      %mul3A_194 = arith.constant 16 : i32
      %mul3A_195 = arith.muli %select_n3A_193, %mul3A_194 : i32
      %add3A_196 = arith.addi %mul3A_179, %mul3A_195 : i32
      %swap3A = arith.index_cast %add3A_196 : i32 to index
      %swap3A_197 = tpu.vector_load %arg7[%swap3A] {strides = array<i32>} : memref<1024xf32, #tpu.memory_space<vmem>>, vector<16xf32>,
      tpu.vector_store %arg7[%swap3A], %add3A_158 {strides = array<i32>} : memref<1024xf32, #tpu.memory_space<vmem>>, vector<16xf32>,
      %add3A_198 = arith.constant 128 : i32
      %add3A_199 = arith.addi %add3A_196, %add3A_198 : i32
      %swap3A_200 = arith.index_cast %add3A_199 : i32 to index
      %swap3A_201 = tpu.vector_load %arg7[%swap3A_200] {strides = array<i32>} : memref<1024xf32, #tpu.memory_space<vmem>>, vector<16xf32>,
      tpu.vector_store %arg7[%swap3A_200], %add3A_159 {strides = array<i32>} : memref<1024xf32, #tpu.memory_space<vmem>>, vector<16xf32>,
    }
    %scan3A_119 = arith.constant 8 : i32
    %dma_wait3A_120 = arith.constant 1 : i32
    %dma_wait3A_121 = arith.constant 0 : i32
    %dma_wait3A_122 = arith.constant 0 : i32
    %dma_wait3A_123 = tpu.memref_slice %arg6[%dma_wait3A_120, %dma_wait3A_121, %dma_wait3A_122] : memref<2x200x128xi32, #tpu.memory_space<vmem>> -> memref<1x200x128xi32, #tpu.memory_space<vmem>>
    %dma_wait3A_124 = tpu.memref_squeeze %dma_wait3A_123 : memref<1x200x128xi32, #tpu.memory_space<vmem>> -> memref<200x128xi32, #tpu.memory_space<vmem>>
    %dma_wait3A_125 = arith.constant 0 : i32
    %dma_wait3A_126 = tpu.memref_slice %arg2[%dma_wait3A_125, %add3A_99] : memref<200x16384xi32, #tpu.memory_space<hbm>> -> memref<200x128xi32, #tpu.memory_space<hbm>>
    %dma_wait3A_127 = arith.constant 0 : i32
    %dma_wait3A_128 = arith.constant 0 : i32
    %dma_wait3A_129 = tpu.memref_slice %arg6[%dma_wait3A_120, %dma_wait3A_127, %dma_wait3A_128] : memref<2x200x128xi32, #tpu.memory_space<vmem>> -> memref<1x200x128xi32, #tpu.memory_space<vmem>>
    %dma_wait3A_130 = tpu.memref_squeeze %dma_wait3A_129 : memref<1x200x128xi32, #tpu.memory_space<vmem>> -> memref<200x128xi32, #tpu.memory_space<vmem>>
    %dma_wait3A_131 = arith.constant 0 : i32
    %dma_wait3A_132 = tpu.memref_slice %arg2[%dma_wait3A_131, %add3A_99] : memref<200x16384xi32, #tpu.memory_space<hbm>> -> memref<200x128xi32, #tpu.memory_space<hbm>>
    tpu.wait_dma2 semaphore(%arg9 : memref<!tpu.dma_semaphore, #tpu.memory_space<semaphore_mem>>) src(%dma_wait3A_132 : memref<200x128xi32, #tpu.memory_space<hbm>>) dst(%dma_wait3A_130 : memref<200x128xi32, #tpu.memory_space<vmem>>)
    %scan3A_133 = arith.constant 0 : i32
    %scan3A_134 = arith.constant -65536 : i32
    %scan3A_135 = arith.constant 0 : i32
    %scan3A_136 = arith.constant 8 : i32
    %scan3A_137 = arith.addi %scan3A_135, %scan3A_136 : i32
    %scan3A_138 = arith.constant 1 : i32
    scf.for %scan3A_142 = %scan3A_135 to %scan3A_137 step %scan3A_138  : i32 {
      %mul3A_143 = arith.constant 16 : i32
      %mul3A_144 = arith.muli %scan3A_142, %mul3A_143 : i32
      %broadcast_in_dim3A = arith.constant 0.000000e+00 : f32
      %broadcast_in_dim3A_145 = vector.broadcast %broadcast_in_dim3A : f32 to vector<16xf32>
      %scan3A_146 = arith.constant 0 : i32
      %scan3A_147 = arith.constant 20 : i32
      %scan3A_148 = arith.addi %scan3A_146, %scan3A_147 : i32
      %scan3A_149 = arith.constant 1 : i32
      %scan3A_150:10 = scf.for %scan3A_202 = %scan3A_146 to %scan3A_148 step %scan3A_149 iter_args(%scan3A_203 = %broadcast_in_dim3A_145, %scan3A_204 = %broadcast_in_dim3A_145, %scan3A_205 = %broadcast_in_dim3A_145, %scan3A_206 = %broadcast_in_dim3A_145, %scan3A_207 = %broadcast_in_dim3A_145, %scan3A_208 = %broadcast_in_dim3A_145, %scan3A_209 = %broadcast_in_dim3A_145, %scan3A_210 = %broadcast_in_dim3A_145, %scan3A_211 = %broadcast_in_dim3A_145, %scan3A_212 = %broadcast_in_dim3A_145) -> (vector<16xf32>, vector<16xf32>, vector<16xf32>, vector<16xf32>, vector<16xf32>, vector<16xf32>, vector<16xf32>, vector<16xf32>, vector<16xf32>, vector<16xf32>)  : i32 {
        %mul3A_213 = arith.constant 10 : i32
        %mul3A_214 = arith.muli %scan3A_202, %mul3A_213 : i32
        %add3A_215 = arith.constant 0 : i32
        %add3A_216 = arith.addi %mul3A_214, %add3A_215 : i32
        %get3A = arith.constant 1 : i32
        %get3A_217 = arith.index_cast %get3A : i32 to index
        %get3A_218 = arith.index_cast %add3A_216 : i32 to index
        %get3A_219 = arith.index_cast %mul3A_144 : i32 to index
        %get3A_220 = tpu.vector_load %arg6[%get3A_217, %get3A_218, %get3A_219] {strides = array<i32>} : memref<2x200x128xi32, #tpu.memory_space<vmem>>, vector<16xi32>,
        %gather3A = tpu.vector_load_idx %arg5[%get3A_220] : memref<1000xi32, #tpu.memory_space<vmem>>[vector<16xi32>], vector<16xi32>,
        %and3A_221 = vector.broadcast %scan3A_134 : i32 to vector<16xi32>
        %and3A_222 = arith.andi %gather3A, %and3A_221 : vector<16xi32>
        %bitcast3A = vector.bitcast %and3A_222 : vector<16xi32> to vector<16xf32>
        %shift_left3A = arith.constant 16 : i32
        %shift_left3A_223 = vector.broadcast %shift_left3A : i32 to vector<16xi32>
        %shift_left3A_224 = arith.shli %gather3A, %shift_left3A_223 : vector<16xi32>
        %bitcast3A_225 = vector.bitcast %shift_left3A_224 : vector<16xi32> to vector<16xf32>
        %add3A_226 = arith.addf %scan3A_203, %bitcast3A_225 : vector<16xf32>
        %add3A_227 = arith.addf %scan3A_204, %bitcast3A : vector<16xf32>
        %add3A_228 = arith.constant 1 : i32
        %add3A_229 = arith.addi %mul3A_214, %add3A_228 : i32
        %get3A_230 = arith.constant 1 : i32
        %get3A_231 = arith.index_cast %get3A_230 : i32 to index
        %get3A_232 = arith.index_cast %add3A_229 : i32 to index
        %get3A_233 = arith.index_cast %mul3A_144 : i32 to index
        %get3A_234 = tpu.vector_load %arg6[%get3A_231, %get3A_232, %get3A_233] {strides = array<i32>} : memref<2x200x128xi32, #tpu.memory_space<vmem>>, vector<16xi32>,
        %gather3A_235 = tpu.vector_load_idx %arg5[%get3A_234] : memref<1000xi32, #tpu.memory_space<vmem>>[vector<16xi32>], vector<16xi32>,
        %and3A_236 = vector.broadcast %scan3A_134 : i32 to vector<16xi32>
        %and3A_237 = arith.andi %gather3A_235, %and3A_236 : vector<16xi32>
        %bitcast3A_238 = vector.bitcast %and3A_237 : vector<16xi32> to vector<16xf32>
        %shift_left3A_239 = arith.constant 16 : i32
        %shift_left3A_240 = vector.broadcast %shift_left3A_239 : i32 to vector<16xi32>
        %shift_left3A_241 = arith.shli %gather3A_235, %shift_left3A_240 : vector<16xi32>
        %bitcast3A_242 = vector.bitcast %shift_left3A_241 : vector<16xi32> to vector<16xf32>
        %add3A_243 = arith.addf %scan3A_205, %bitcast3A_242 : vector<16xf32>
        %add3A_244 = arith.addf %scan3A_206, %bitcast3A_238 : vector<16xf32>
        %add3A_245 = arith.constant 2 : i32
        %add3A_246 = arith.addi %mul3A_214, %add3A_245 : i32
        %get3A_247 = arith.constant 1 : i32
        %get3A_248 = arith.index_cast %get3A_247 : i32 to index
        %get3A_249 = arith.index_cast %add3A_246 : i32 to index
        %get3A_250 = arith.index_cast %mul3A_144 : i32 to index
        %get3A_251 = tpu.vector_load %arg6[%get3A_248, %get3A_249, %get3A_250] {strides = array<i32>} : memref<2x200x128xi32, #tpu.memory_space<vmem>>, vector<16xi32>,
        %gather3A_252 = tpu.vector_load_idx %arg5[%get3A_251] : memref<1000xi32, #tpu.memory_space<vmem>>[vector<16xi32>], vector<16xi32>,
        %and3A_253 = vector.broadcast %scan3A_134 : i32 to vector<16xi32>
        %and3A_254 = arith.andi %gather3A_252, %and3A_253 : vector<16xi32>
        %bitcast3A_255 = vector.bitcast %and3A_254 : vector<16xi32> to vector<16xf32>
        %shift_left3A_256 = arith.constant 16 : i32
        %shift_left3A_257 = vector.broadcast %shift_left3A_256 : i32 to vector<16xi32>
        %shift_left3A_258 = arith.shli %gather3A_252, %shift_left3A_257 : vector<16xi32>
        %bitcast3A_259 = vector.bitcast %shift_left3A_258 : vector<16xi32> to vector<16xf32>
        %add3A_260 = arith.addf %scan3A_207, %bitcast3A_259 : vector<16xf32>
        %add3A_261 = arith.addf %scan3A_208, %bitcast3A_255 : vector<16xf32>
        %add3A_262 = arith.constant 3 : i32
        %add3A_263 = arith.addi %mul3A_214, %add3A_262 : i32
        %get3A_264 = arith.constant 1 : i32
        %get3A_265 = arith.index_cast %get3A_264 : i32 to index
        %get3A_266 = arith.index_cast %add3A_263 : i32 to index
        %get3A_267 = arith.index_cast %mul3A_144 : i32 to index
        %get3A_268 = tpu.vector_load %arg6[%get3A_265, %get3A_266, %get3A_267] {strides = array<i32>} : memref<2x200x128xi32, #tpu.memory_space<vmem>>, vector<16xi32>,
        %gather3A_269 = tpu.vector_load_idx %arg5[%get3A_268] : memref<1000xi32, #tpu.memory_space<vmem>>[vector<16xi32>], vector<16xi32>,
        %and3A_270 = vector.broadcast %scan3A_134 : i32 to vector<16xi32>
        %and3A_271 = arith.andi %gather3A_269, %and3A_270 : vector<16xi32>
        %bitcast3A_272 = vector.bitcast %and3A_271 : vector<16xi32> to vector<16xf32>
        %shift_left3A_273 = arith.constant 16 : i32
        %shift_left3A_274 = vector.broadcast %shift_left3A_273 : i32 to vector<16xi32>
        %shift_left3A_275 = arith.shli %gather3A_269, %shift_left3A_274 : vector<16xi32>
        %bitcast3A_276 = vector.bitcast %shift_left3A_275 : vector<16xi32> to vector<16xf32>
        %add3A_277 = arith.addf %scan3A_209, %bitcast3A_276 : vector<16xf32>
        %add3A_278 = arith.addf %scan3A_210, %bitcast3A_272 : vector<16xf32>
        %add3A_279 = arith.constant 4 : i32
        %add3A_280 = arith.addi %mul3A_214, %add3A_279 : i32
        %get3A_281 = arith.constant 1 : i32
        %get3A_282 = arith.index_cast %get3A_281 : i32 to index
        %get3A_283 = arith.index_cast %add3A_280 : i32 to index
        %get3A_284 = arith.index_cast %mul3A_144 : i32 to index
        %get3A_285 = tpu.vector_load %arg6[%get3A_282, %get3A_283, %get3A_284] {strides = array<i32>} : memref<2x200x128xi32, #tpu.memory_space<vmem>>, vector<16xi32>,
        %gather3A_286 = tpu.vector_load_idx %arg5[%get3A_285] : memref<1000xi32, #tpu.memory_space<vmem>>[vector<16xi32>], vector<16xi32>,
        %and3A_287 = vector.broadcast %scan3A_134 : i32 to vector<16xi32>
        %and3A_288 = arith.andi %gather3A_286, %and3A_287 : vector<16xi32>
        %bitcast3A_289 = vector.bitcast %and3A_288 : vector<16xi32> to vector<16xf32>
        %shift_left3A_290 = arith.constant 16 : i32
        %shift_left3A_291 = vector.broadcast %shift_left3A_290 : i32 to vector<16xi32>
        %shift_left3A_292 = arith.shli %gather3A_286, %shift_left3A_291 : vector<16xi32>
        %bitcast3A_293 = vector.bitcast %shift_left3A_292 : vector<16xi32> to vector<16xf32>
        %add3A_294 = arith.addf %scan3A_211, %bitcast3A_293 : vector<16xf32>
        %add3A_295 = arith.addf %scan3A_212, %bitcast3A_289 : vector<16xf32>
        %add3A_296 = arith.constant 5 : i32
        %add3A_297 = arith.addi %mul3A_214, %add3A_296 : i32
        %get3A_298 = arith.constant 1 : i32
        %get3A_299 = arith.index_cast %get3A_298 : i32 to index
        %get3A_300 = arith.index_cast %add3A_297 : i32 to index
        %get3A_301 = arith.index_cast %mul3A_144 : i32 to index
        %get3A_302 = tpu.vector_load %arg6[%get3A_299, %get3A_300, %get3A_301] {strides = array<i32>} : memref<2x200x128xi32, #tpu.memory_space<vmem>>, vector<16xi32>,
        %gather3A_303 = tpu.vector_load_idx %arg5[%get3A_302] : memref<1000xi32, #tpu.memory_space<vmem>>[vector<16xi32>], vector<16xi32>,
        %and3A_304 = vector.broadcast %scan3A_134 : i32 to vector<16xi32>
        %and3A_305 = arith.andi %gather3A_303, %and3A_304 : vector<16xi32>
        %bitcast3A_306 = vector.bitcast %and3A_305 : vector<16xi32> to vector<16xf32>
        %shift_left3A_307 = arith.constant 16 : i32
        %shift_left3A_308 = vector.broadcast %shift_left3A_307 : i32 to vector<16xi32>
        %shift_left3A_309 = arith.shli %gather3A_303, %shift_left3A_308 : vector<16xi32>
        %bitcast3A_310 = vector.bitcast %shift_left3A_309 : vector<16xi32> to vector<16xf32>
        %add3A_311 = arith.addf %add3A_226, %bitcast3A_310 : vector<16xf32>
        %add3A_312 = arith.addf %add3A_227, %bitcast3A_306 : vector<16xf32>
        %add3A_313 = arith.constant 6 : i32
        %add3A_314 = arith.addi %mul3A_214, %add3A_313 : i32
        %get3A_315 = arith.constant 1 : i32
        %get3A_316 = arith.index_cast %get3A_315 : i32 to index
        %get3A_317 = arith.index_cast %add3A_314 : i32 to index
        %get3A_318 = arith.index_cast %mul3A_144 : i32 to index
        %get3A_319 = tpu.vector_load %arg6[%get3A_316, %get3A_317, %get3A_318] {strides = array<i32>} : memref<2x200x128xi32, #tpu.memory_space<vmem>>, vector<16xi32>,
        %gather3A_320 = tpu.vector_load_idx %arg5[%get3A_319] : memref<1000xi32, #tpu.memory_space<vmem>>[vector<16xi32>], vector<16xi32>,
        %and3A_321 = vector.broadcast %scan3A_134 : i32 to vector<16xi32>
        %and3A_322 = arith.andi %gather3A_320, %and3A_321 : vector<16xi32>
        %bitcast3A_323 = vector.bitcast %and3A_322 : vector<16xi32> to vector<16xf32>
        %shift_left3A_324 = arith.constant 16 : i32
        %shift_left3A_325 = vector.broadcast %shift_left3A_324 : i32 to vector<16xi32>
        %shift_left3A_326 = arith.shli %gather3A_320, %shift_left3A_325 : vector<16xi32>
        %bitcast3A_327 = vector.bitcast %shift_left3A_326 : vector<16xi32> to vector<16xf32>
        %add3A_328 = arith.addf %add3A_243, %bitcast3A_327 : vector<16xf32>
        %add3A_329 = arith.addf %add3A_244, %bitcast3A_323 : vector<16xf32>
        %add3A_330 = arith.constant 7 : i32
        %add3A_331 = arith.addi %mul3A_214, %add3A_330 : i32
        %get3A_332 = arith.constant 1 : i32
        %get3A_333 = arith.index_cast %get3A_332 : i32 to index
        %get3A_334 = arith.index_cast %add3A_331 : i32 to index
        %get3A_335 = arith.index_cast %mul3A_144 : i32 to index
        %get3A_336 = tpu.vector_load %arg6[%get3A_333, %get3A_334, %get3A_335] {strides = array<i32>} : memref<2x200x128xi32, #tpu.memory_space<vmem>>, vector<16xi32>,
        %gather3A_337 = tpu.vector_load_idx %arg5[%get3A_336] : memref<1000xi32, #tpu.memory_space<vmem>>[vector<16xi32>], vector<16xi32>,
        %and3A_338 = vector.broadcast %scan3A_134 : i32 to vector<16xi32>
        %and3A_339 = arith.andi %gather3A_337, %and3A_338 : vector<16xi32>
        %bitcast3A_340 = vector.bitcast %and3A_339 : vector<16xi32> to vector<16xf32>
        %shift_left3A_341 = arith.constant 16 : i32
        %shift_left3A_342 = vector.broadcast %shift_left3A_341 : i32 to vector<16xi32>
        %shift_left3A_343 = arith.shli %gather3A_337, %shift_left3A_342 : vector<16xi32>
        %bitcast3A_344 = vector.bitcast %shift_left3A_343 : vector<16xi32> to vector<16xf32>
        %add3A_345 = arith.addf %add3A_260, %bitcast3A_344 : vector<16xf32>
        %add3A_346 = arith.addf %add3A_261, %bitcast3A_340 : vector<16xf32>
        %add3A_347 = arith.constant 8 : i32
        %add3A_348 = arith.addi %mul3A_214, %add3A_347 : i32
        %get3A_349 = arith.constant 1 : i32
        %get3A_350 = arith.index_cast %get3A_349 : i32 to index
        %get3A_351 = arith.index_cast %add3A_348 : i32 to index
        %get3A_352 = arith.index_cast %mul3A_144 : i32 to index
        %get3A_353 = tpu.vector_load %arg6[%get3A_350, %get3A_351, %get3A_352] {strides = array<i32>} : memref<2x200x128xi32, #tpu.memory_space<vmem>>, vector<16xi32>,
        %gather3A_354 = tpu.vector_load_idx %arg5[%get3A_353] : memref<1000xi32, #tpu.memory_space<vmem>>[vector<16xi32>], vector<16xi32>,
        %and3A_355 = vector.broadcast %scan3A_134 : i32 to vector<16xi32>
        %and3A_356 = arith.andi %gather3A_354, %and3A_355 : vector<16xi32>
        %bitcast3A_357 = vector.bitcast %and3A_356 : vector<16xi32> to vector<16xf32>
        %shift_left3A_358 = arith.constant 16 : i32
        %shift_left3A_359 = vector.broadcast %shift_left3A_358 : i32 to vector<16xi32>
        %shift_left3A_360 = arith.shli %gather3A_354, %shift_left3A_359 : vector<16xi32>
        %bitcast3A_361 = vector.bitcast %shift_left3A_360 : vector<16xi32> to vector<16xf32>
        %add3A_362 = arith.addf %add3A_277, %bitcast3A_361 : vector<16xf32>
        %add3A_363 = arith.addf %add3A_278, %bitcast3A_357 : vector<16xf32>
        %add3A_364 = arith.constant 9 : i32
        %add3A_365 = arith.addi %mul3A_214, %add3A_364 : i32
        %get3A_366 = arith.constant 1 : i32
        %get3A_367 = arith.index_cast %get3A_366 : i32 to index
        %get3A_368 = arith.index_cast %add3A_365 : i32 to index
        %get3A_369 = arith.index_cast %mul3A_144 : i32 to index
        %get3A_370 = tpu.vector_load %arg6[%get3A_367, %get3A_368, %get3A_369] {strides = array<i32>} : memref<2x200x128xi32, #tpu.memory_space<vmem>>, vector<16xi32>,
        %gather3A_371 = tpu.vector_load_idx %arg5[%get3A_370] : memref<1000xi32, #tpu.memory_space<vmem>>[vector<16xi32>], vector<16xi32>,
        %and3A_372 = vector.broadcast %scan3A_134 : i32 to vector<16xi32>
        %and3A_373 = arith.andi %gather3A_371, %and3A_372 : vector<16xi32>
        %bitcast3A_374 = vector.bitcast %and3A_373 : vector<16xi32> to vector<16xf32>
        %shift_left3A_375 = arith.constant 16 : i32
        %shift_left3A_376 = vector.broadcast %shift_left3A_375 : i32 to vector<16xi32>
        %shift_left3A_377 = arith.shli %gather3A_371, %shift_left3A_376 : vector<16xi32>
        %bitcast3A_378 = vector.bitcast %shift_left3A_377 : vector<16xi32> to vector<16xf32>
        %add3A_379 = arith.addf %add3A_294, %bitcast3A_378 : vector<16xf32>
        %add3A_380 = arith.addf %add3A_295, %bitcast3A_374 : vector<16xf32>
        scf.yield %add3A_311, %add3A_312, %add3A_328, %add3A_329, %add3A_345, %add3A_346, %add3A_362, %add3A_363, %add3A_379, %add3A_380 : vector<16xf32>, vector<16xf32>, vector<16xf32>, vector<16xf32>, vector<16xf32>, vector<16xf32>, vector<16xf32>, vector<16xf32>, vector<16xf32>, vector<16xf32>
      }
      %scan3A_151 = arith.constant 20 : i32
      %add3A_152 = arith.addf %scan3A_150#0, %scan3A_150#2 : vector<16xf32>
      %add3A_153 = arith.addf %scan3A_150#4, %scan3A_150#6 : vector<16xf32>
      %add3A_154 = arith.addf %scan3A_150#1, %scan3A_150#3 : vector<16xf32>
      %add3A_155 = arith.addf %scan3A_150#5, %scan3A_150#7 : vector<16xf32>
      %add3A_156 = arith.addf %add3A_152, %add3A_153 : vector<16xf32>
      %add3A_157 = arith.addf %add3A_154, %add3A_155 : vector<16xf32>
      %add3A_158 = arith.addf %add3A_156, %scan3A_150#8 : vector<16xf32>
      %add3A_159 = arith.addf %add3A_157, %scan3A_150#9 : vector<16xf32>
      %add3A_160 = arith.constant 24 : i32
      %add3A_161 = arith.addi %add3A_160, %scan3A_142 : i32
      %jit3A = arith.constant 8 : i32
      %div3A = arith.divsi %add3A_161, %jit3A : i32
      %sign3A = arith.constant 0 : i32
      %sign3A_162 = arith.cmpi sgt, %add3A_161, %sign3A : i32
      %sign3A_163 = arith.extui %sign3A_162 : i1 to i32
      %sign3A_164 = arith.constant 0 : i32
      %sign3A_165 = arith.cmpi slt, %add3A_161, %sign3A_164 : i32
      %sign3A_166 = arith.extui %sign3A_165 : i1 to i32
      %sign3A_167 = arith.subi %sign3A_163, %sign3A_166 : i32
      %sign3A_168 = arith.constant 0 : i32
      %sign3A_169 = arith.cmpi sgt, %jit3A, %sign3A_168 : i32
      %sign3A_170 = arith.extui %sign3A_169 : i1 to i32
      %sign3A_171 = arith.constant 0 : i32
      %sign3A_172 = arith.cmpi slt, %jit3A, %sign3A_171 : i32
      %sign3A_173 = arith.extui %sign3A_172 : i1 to i32
      %sign3A_174 = arith.subi %sign3A_170, %sign3A_173 : i32
      %ne3A = arith.cmpi ne, %sign3A_167, %sign3A_174 : i32
      %rem3A = arith.remsi %add3A_161, %jit3A : i32
      %ne3A_175 = arith.constant 0 : i32
      %ne3A_176 = arith.cmpi ne, %rem3A, %ne3A_175 : i32
      %and3A = arith.andi %ne3A, %ne3A_176 : i1
      %sub3A = arith.constant 1 : i32
      %sub3A_177 = arith.subi %div3A, %sub3A : i32
      %select_n3A = arith.select %and3A, %sub3A_177, %div3A : i32
      %mul3A_178 = arith.constant 256 : i32
      %mul3A_179 = arith.muli %select_n3A, %mul3A_178 : i32
      %jit3A_180 = arith.constant 8 : i32
      %eq3A = arith.constant 0 : i32
      %eq3A_181 = arith.cmpi eq, %jit3A_180, %eq3A : i32
      %jit3A_182 = arith.constant 1 : i32
      %select_n3A_183 = arith.select %eq3A_181, %jit3A_182, %jit3A_180 : i32
      %rem3A_184 = arith.remsi %add3A_161, %select_n3A_183 : i32
      %ne3A_185 = arith.constant 0 : i32
      %ne3A_186 = arith.cmpi ne, %rem3A_184, %ne3A_185 : i32
      %lt3A = arith.constant 0 : i32
      %lt3A_187 = arith.cmpi slt, %rem3A_184, %lt3A : i32
      %lt3A_188 = arith.constant 0 : i32
      %lt3A_189 = arith.cmpi slt, %select_n3A_183, %lt3A_188 : i32
      %ne3A_190 = arith.xori %lt3A_187, %lt3A_189 : i1
      %and3A_191 = arith.andi %ne3A_190, %ne3A_186 : i1
      %add3A_192 = arith.addi %rem3A_184, %select_n3A_183 : i32
      %select_n3A_193 = arith.select %and3A_191, %add3A_192, %rem3A_184 : i32
      %mul3A_194 = arith.constant 16 : i32
      %mul3A_195 = arith.muli %select_n3A_193, %mul3A_194 : i32
      %add3A_196 = arith.addi %mul3A_179, %mul3A_195 : i32
      %swap3A = arith.index_cast %add3A_196 : i32 to index
      %swap3A_197 = tpu.vector_load %arg7[%swap3A] {strides = array<i32>} : memref<1024xf32, #tpu.memory_space<vmem>>, vector<16xf32>,
      tpu.vector_store %arg7[%swap3A], %add3A_158 {strides = array<i32>} : memref<1024xf32, #tpu.memory_space<vmem>>, vector<16xf32>,
      %add3A_198 = arith.constant 128 : i32
      %add3A_199 = arith.addi %add3A_196, %add3A_198 : i32
      %swap3A_200 = arith.index_cast %add3A_199 : i32 to index
      %swap3A_201 = tpu.vector_load %arg7[%swap3A_200] {strides = array<i32>} : memref<1024xf32, #tpu.memory_space<vmem>>, vector<16xf32>,
      tpu.vector_store %arg7[%swap3A_200], %add3A_159 {strides = array<i32>} : memref<1024xf32, #tpu.memory_space<vmem>>, vector<16xf32>,
    }
    %scan3A_139 = arith.constant 8 : i32
    %mul3A_140 = arith.constant 1024 : i32
    %mul3A_141 = arith.muli %add3A, %mul3A_140 : i32
    "tpu.region"() ({
      %run_scoped3A = tpu.sem_alloc : memref<!tpu.dma_semaphore, #tpu.memory_space<semaphore_mem>>
      %dma_start3A_142 = tpu.memref_slice %arg4[%mul3A_141] : memref<32768xf32, #tpu.memory_space<hbm>> -> memref<1024xf32, #tpu.memory_space<hbm>>
      %dma_start3A_143 = tpu.memref_slice %arg4[%mul3A_141] : memref<32768xf32, #tpu.memory_space<hbm>> -> memref<1024xf32, #tpu.memory_space<hbm>>
      tpu.enqueue_dma source(%arg7 : memref<1024xf32, #tpu.memory_space<vmem>>) target(%dma_start3A_143 : memref<1024xf32, #tpu.memory_space<hbm>>) target_semaphore(%run_scoped3A : memref<!tpu.dma_semaphore, #tpu.memory_space<semaphore_mem>>)
      %dma_wait3A_144 = tpu.memref_slice %arg4[%mul3A_141] : memref<32768xf32, #tpu.memory_space<hbm>> -> memref<1024xf32, #tpu.memory_space<hbm>>
      %dma_wait3A_145 = tpu.memref_slice %arg4[%mul3A_141] : memref<32768xf32, #tpu.memory_space<hbm>> -> memref<1024xf32, #tpu.memory_space<hbm>>
      tpu.wait_dma2 semaphore(%run_scoped3A : memref<!tpu.dma_semaphore, #tpu.memory_space<semaphore_mem>>) src(%arg7 : memref<1024xf32, #tpu.memory_space<vmem>>) dst(%dma_wait3A_145 : memref<1024xf32, #tpu.memory_space<hbm>>)
      tpu.yield
    }) : () -> ()
    return
  }
}

module attributes {stable_mosaic.version = 14 : i64} {
  func.func @_fold_body(%arg0: memref<1000x10xf32, #tpu.memory_space<vmem>>, %arg1: memref<2x10xf32, #tpu.memory_space<vmem>>, %arg2: memref<2xf32, #tpu.memory_space<vmem>>, %arg3: memref<1000xi32, #tpu.memory_space<vmem>>) attributes {dimension_semantics = [], scalar_prefetch = 0 : i64, scratch_operands = 0 : i64, tpu.core_type = #tpu.core_type<tc>} {
    %get3A = arith.constant 0 : index
    %get3A_0 = arith.constant 0 : index
    %get3A_1 = vector.load %arg1[%get3A, %get3A_0] : memref<2x10xf32, #tpu.memory_space<vmem>>, vector<2x10xf32>
    %get3A_2 = arith.constant 0 : index
    %get3A_3 = arith.constant 0 : index
    %get3A_4 = vector.load %arg0[%get3A_2, %get3A_3] : memref<1000x10xf32, #tpu.memory_space<vmem>>, vector<1000x10xf32>
    %dot_general3A = arith.constant dense<0.000000e+00> : vector<2x1000xf32>
    %dot_general3A_5 = tpu.matmul %get3A_1, %get3A_4, %dot_general3A {dimension_numbers = #tpu.dot_dimension_numbers<[1], [1], [0], [0], [0, 0, 1, 0], [], []>, transpose_lhs_hint = false} : vector<2x10xf32>, vector<1000x10xf32>, vector<2x1000xf32> -> vector<2x1000xf32>
    %mul3A = arith.constant 5.000000e-03 : f32
    %mul3A_6 = vector.broadcast %mul3A : f32 to vector<2x1000xf32>
    %mul3A_7 = arith.mulf %dot_general3A_5, %mul3A_6 : vector<2x1000xf32>
    %get3A_8 = arith.constant 0 : index
    %get3A_9 = vector.load %arg2[%get3A_8] : memref<2xf32, #tpu.memory_space<vmem>>, vector<2xf32>
    %reshape3A = vector.shape_cast %get3A_9 : vector<2xf32> to vector<2x1xf32>
    %mul3A_10 = arith.constant 5.000000e-03 : f32
    %mul3A_11 = vector.broadcast %mul3A_10 : f32 to vector<2x1xf32>
    %mul3A_12 = arith.mulf %reshape3A, %mul3A_11 : vector<2x1xf32>
    %add3A = vector.broadcast %mul3A_12 : vector<2x1xf32> to vector<2x1000xf32>
    %add3A_13 = arith.addf %mul3A_7, %add3A : vector<2x1000xf32>
    %bitcast_convert_type3A = tpu.bitcast %add3A_13 : vector<2x1000xf32> -> vector<2x1000xi32>
    %add3A_14 = arith.constant 32767 : i32
    %add3A_15 = vector.broadcast %add3A_14 : i32 to vector<2x1000xi32>
    %add3A_16 = arith.addi %bitcast_convert_type3A, %add3A_15 : vector<2x1000xi32>
    %shift_right_logical3A = arith.constant 16 : i32
    %shift_right_logical3A_17 = vector.broadcast %shift_right_logical3A : i32 to vector<2x1000xi32>
    %shift_right_logical3A_18 = arith.shrui %bitcast_convert_type3A, %shift_right_logical3A_17 : vector<2x1000xi32>
    %and3A = arith.constant 1 : i32
    %and3A_19 = vector.broadcast %and3A : i32 to vector<2x1000xi32>
    %and3A_20 = arith.andi %shift_right_logical3A_18, %and3A_19 : vector<2x1000xi32>
    %add3A_21 = arith.addi %add3A_16, %and3A_20 : vector<2x1000xi32>
    %and3A_22 = arith.constant -65536 : i32
    %and3A_23 = vector.broadcast %and3A_22 : i32 to vector<2x1000xi32>
    %and3A_24 = arith.andi %add3A_21, %and3A_23 : vector<2x1000xi32>
    %slice3A = vector.extract_strided_slice %and3A_24 {offsets = [1, 0], sizes = [1, 1000], strides = [1, 1]} : vector<2x1000xi32> to vector<1x1000xi32>
    %squeeze3A = vector.shape_cast %slice3A : vector<1x1000xi32> to vector<1000xi32>
    %slice3A_25 = vector.extract_strided_slice %and3A_24 {offsets = [0, 0], sizes = [1, 1000], strides = [1, 1]} : vector<2x1000xi32> to vector<1x1000xi32>
    %squeeze3A_26 = vector.shape_cast %slice3A_25 : vector<1x1000xi32> to vector<1000xi32>
    %shift_right_logical3A_27 = arith.constant 16 : i32
    %shift_right_logical3A_28 = vector.broadcast %shift_right_logical3A_27 : i32 to vector<1000xi32>
    %shift_right_logical3A_29 = arith.shrui %squeeze3A_26, %shift_right_logical3A_28 : vector<1000xi32>
    %or3A = arith.ori %squeeze3A, %shift_right_logical3A_29 : vector<1000xi32>
    %bitcast_convert_type3A_30 = tpu.bitcast %or3A : vector<1000xi32> -> vector<1000xi32>
    %swap3A = arith.constant 0 : index
    %swap3A_31 = vector.load %arg3[%swap3A] : memref<1000xi32, #tpu.memory_space<vmem>>, vector<1000xi32>
    tpu.vector_store %arg3[%swap3A], %bitcast_convert_type3A_30 {strides = array<i32>} : memref<1000xi32, #tpu.memory_space<vmem>>, vector<1000xi32>,
    return
  }
}

</mosaic_0001>

<sc_bundles>
// kernel: kernel.4.cloned.1.call-start
scs
__scs_entry_jumppad:
0x0: {  	(pc) =	sbr.rel $0x88, $3  }
0x1: {  	(tag) =	ssettag $0x0;
	lr =	simm.s32 $0x1  }
0x2: {  	[smem:$0x3F9D] =	sst lr;
	_ =	strace $0xD0000000  }
0x3: {  	_ = 	snop  }
0x4: {  	_ = 	snop  }
0x5: {  	_ = 	snop  }
0x6: {  	_ = 	snop  }
0x7: {  	_ = 	snop  }
__scs_overlays_trampoline_lowered:
0x8: {  	[smem:$0x3FAC] =	sst s0  }
0x9: {  	[smem:$0x3FAD] =	sst s1  }
0xa: {  	[smem:$0x3FAE] =	sst s2  }
0xb: {  	[smem:$0x3FAF] =	sst s3  }
0xc: {  	[smem:$0x3FB0] =	sst s4  }
0xd: {  	[smem:$0x3FB1] =	sst s5  }
0xe: {  	[smem:$0x3FB2] =	sst s6  }
0xf: {  	[smem:$0x3FB3] =	sst s7  }
0x10: {  	[smem:$0x3FB4] =	sst s8  }
0x11: {  	[smem:$0x3FB5] =	sst s9;
	s0 =	simm.s32 @!p0 $0x0  }
0x12: {  	s1 =	sld [smem:$0x3F9B];
	s0 =	simm.s32 @p0 $0x1  }
0x13: {  	[smem:$0x3FB6] =	sst s0;
	s0 =	simm.s32 @!p1 $0x0  }
0x14: {  	s2 =	sld [smem:$0x3F9A];
	s0 =	simm.s32 @p1 $0x1  }
0x15: {  	[smem:$0x3FB7] =	sst s0;
	s0 =	simm.s32 @!p2 $0x0  }
0x16: {  	s3 =	sld [smem:$0x3FDB];
	s0 =	simm.s32 @p2 $0x1  }
0x17: {  	s4 =	simm.s32 $0x1BF5;
	[smem:$0x3FB9] =	sst s0  }
0x18: {  	s0 =	sld [smem:$0x3F9C];
	_ =	swait.ge [sflag:s4], $0x0  }
0x19: {  	s7 =	sld [smem:$0x3F9D]  }
0x1a: {  	s8 =	sadd.s32 $0xFFFFE003, lr  }
0x1b: {  	s9 =	sadd.s32 $0xFFFFFEF7, lr;
	s5 =	simm.s32 $0xFFFFFFFF;
	p2 =	slt.u32 s8, $0xFFFFF086  }
0x1c: {  	p1 =	slt.u32 s9, $0xF7A;
	s5 =	simm.s32 @!p2 $0x0  }
0x1d: {  	s5 =	simm.s32 @p1 $0x1;
	p0 =	seq.s32 s7, s2  }
0x1e: {  	s7 =	smul.u32 @!p0 $0xF7A, s2;
	p2 =	seq.s32 @!p0 s5, $0x0  }
0x1f: {  	s9 =	smul.u32 $0xF7A, s1;
	s8 =	simm.s32 @!p0 $0x1BF5;
	p2 =	por !p2, p0  }
0x20: {  	[sflag:s8] =	ssyncset.s32 @!p0 $0xFFFFF086;
	s6 =	sadd.s32 @!p0 s3, s7;
	s7 =	simm.s32 @!p0 $0x108  }
0x21: {  	s3 =	sadd.s32 s3, s9;
	s6 =	sadd.s32 @!p0 $0x88, s6;
	s7 =	simm.s32 @p2 $0x1082  }
0x22: {  	[simem:s7], [sflag:s8] =	dma.local @!p0 [hbm:s6], $0xF7A  }
0x23: {  	s9 =	sor.u32 $0xD0000000, s2;
	s6 =	simm.s32 $0x108;
	_ =	swait.ge @!p0 [sflag:s8], $0x0  }
0x24: {  	s3 =	sadd.s32 $0x88, s3;
	s6 =	simm.s32 @!p1 $0x1082;
	[sflag:s4] =	ssyncset.s32 $0xFFFFF086  }
0x25: {  	[simem:s6], [sflag:s4] =	dma.local [hbm:s3], $0xF7A  }
0x26: {  	[smem:$0x3F9D] =	sst s1;
	(tag) =	ssettag s2;
	_ =	strace s9  }
0x27: {  	s1 =	sld [smem:$0x3FAD]  }
0x28: {  	s2 =	sld [smem:$0x3FAE]  }
0x29: {  	s4 =	sld [smem:$0x3FB0]  }
0x2a: {  	p0 =	seq.s32 s5, $0x0;
	s5 =	sld [smem:$0x3FB1]  }
0x2b: {  	s6 =	sld [smem:$0x3FB2]  }
0x2c: {  	s7 =	sld [smem:$0x3FB3]  }
0x2d: {  	s3 =	simm.s32 $0x108;
	s8 =	sld [smem:$0x3FB4]  }
0x2e: {  	s3 =	simm.s32 @!p0 $0x1082;
	s9 =	sld [smem:$0x3FB5]  }
0x2f: {  	lr =	sadd.s32 s0, s3;
	s0 =	sld [smem:$0x3FAC]  }
0x30: {  	s3 =	sld [smem:$0x3FAF]  }
0x31: {  	[smem:$0x3FB8] =	sst s10  }
0x32: {  	s10 =	sld [smem:$0x3FB6];
	_ =	sdelay $0x3  }
0x33: {  	p0 =	seq.s32 s10, $0x1;
	s10 =	sld [smem:$0x3FB8];
	_ =	sdelay $0x3  }
0x34: {  	[smem:$0x3FB8] =	sst s10  }
0x35: {  	s10 =	sld [smem:$0x3FB7];
	_ =	sdelay $0x3  }
0x36: {  	p1 =	seq.s32 s10, $0x1;
	s10 =	sld [smem:$0x3FB8];
	_ =	sdelay $0x3  }
0x37: {  	[smem:$0x3FB8] =	sst s10  }
0x38: {  	s10 =	sld [smem:$0x3FB9]  }
0x39: {  	_ = 	snop;
	(pc) =	sbr.ind lr, $3  }
0x3a: {  	_ = 	snop  }
0x3b: {  	_ = 	snop  }
0x3c: {  	p2 =	seq.s32 s10, $0x1;
	s10 =	sld [smem:$0x3FB8]  }
0x3d: {  	_ =	shalt  }
0x3e: {  	_ =	shalt  }
0x3f: {  	_ =	shalt  }
0x40: {  	_ =	shalt  }
0x41: {  	_ =	shalt  }
0x42: {  	_ =	shalt  }
0x43: {  	_ =	shalt  }
0x44: {  	_ =	shalt  }
0x45: {  	_ =	shalt  }
0x46: {  	_ =	shalt  }
0x47: {  	_ =	shalt  }
0x48: {  	_ =	shalt  }
0x49: {  	_ =	shalt  }
0x4a: {  	_ =	shalt  }
0x4b: {  	_ =	shalt  }
0x4c: {  	_ =	shalt  }
0x4d: {  	_ =	shalt  }
0x4e: {  	_ =	shalt  }
0x4f: {  	_ =	shalt  }
0x50: {  	_ =	shalt  }
0x51: {  	_ =	shalt  }
0x52: {  	_ =	shalt  }
0x53: {  	_ =	shalt  }
0x54: {  	_ =	shalt  }
0x55: {  	_ =	shalt  }
0x56: {  	_ =	shalt  }
0x57: {  	_ =	shalt  }
0x58: {  	_ =	shalt  }
0x59: {  	_ =	shalt  }
0x5a: {  	_ =	shalt  }
0x5b: {  	_ =	shalt  }
0x5c: {  	_ =	shalt  }
0x5d: {  	_ =	shalt  }
0x5e: {  	_ =	shalt  }
0x5f: {  	_ =	shalt  }
0x60: {  	_ =	shalt  }
0x61: {  	_ =	shalt  }
0x62: {  	_ =	shalt  }
0x63: {  	_ =	shalt  }
0x64: {  	_ =	shalt  }
0x65: {  	_ =	shalt  }
0x66: {  	_ =	shalt  }
0x67: {  	_ =	shalt  }
0x68: {  	_ =	shalt  }
0x69: {  	_ =	shalt  }
0x6a: {  	_ =	shalt  }
0x6b: {  	_ =	shalt  }
0x6c: {  	_ =	shalt  }
0x6d: {  	_ =	shalt  }
0x6e: {  	_ =	shalt  }
0x6f: {  	_ =	shalt  }
0x70: {  	_ =	shalt  }
0x71: {  	_ =	shalt  }
0x72: {  	_ =	shalt  }
0x73: {  	_ =	shalt  }
0x74: {  	_ =	shalt  }
0x75: {  	_ =	shalt  }
0x76: {  	_ =	shalt  }
0x77: {  	_ =	shalt  }
0x78: {  	_ =	shalt  }
0x79: {  	_ =	shalt  }
0x7a: {  	_ =	shalt  }
0x7b: {  	_ =	shalt  }
0x7c: {  	_ =	shalt  }
0x7d: {  	_ =	shalt  }
0x7e: {  	_ =	shalt  }
0x7f: {  	_ =	shalt  }
0x80: {  	_ =	shalt  }
0x81: {  	_ =	shalt  }
0x82: {  	_ =	shalt  }
0x83: {  	_ =	shalt  }
0x84: {  	_ =	shalt  }
0x85: {  	_ =	shalt  }
0x86: {  	_ =	shalt  }
0x87: {  	_ =	shalt  }
.Lfunc_end0:
.L_simem_size_0:
called_computation_lowered:
.L_overlay_start_0:
0x88: {  	s2 =	sld [smem:$0x3FD9]  }
0x89: {  	s3 =	sld [smem:$0x3FFE];
	_ =	sdelay $0x1  }
0x8a: {  	s1 =	srdreg.scid  }
0x8b: {  	s0 =	sand.u32 $0x1, s1  }
0x8c: {  	s17 =	sshll.u32 s0, $0xA;
	s2 =	sadd.s32 s3, s2  }
0x8d: {  	s2 =	sadd.s32 s2, s17  }
0x8e: {  	[smem:$0x3FC4] =	sst s2  }
0x8f: {  	_ = 	snop  }
0x90: {  	s2 =	sld [smem:$0x3FC9]  }
0x91: {  	s18 =	sld [smem:$0x3FD0];
	(tm) =	ssettm $0x1  }
0x92: {  	s4 =	sld [smem:$0x3FFB];
	_ =	sdelay $0x3  }
0x93: {  	_ =	strace s4  }
0x94: {  	s4 =	sld [smem:$0x3FFC];
	_ =	sdelay $0x3  }
0x95: {  	_ =	strace s4  }
0x96: {  	s4 =	sld [smem:$0x3FFD];
	_ =	sdelay $0x3  }
0x97: {  	_ =	strace s4  }
0x98: {  	_ =	strace $0x8FFFFFFF  }
0x99: {  	s19 =	sld [smem:$0x3FDB];
	_ =	sdelay $0x1  }
0x9a: {  	s5 =	simm.s32 $_scs_section_size  }
0x9b: {  	s6 =	simm.s32 $_size__tile_overlayer_lowered;
	s7 =	simm.s32 $_tile_overlayer_lowered  }
0x9c: {  	s22 =	simm.s32 $0x1BFF;
	s21 =	sshll.u32 s7, $0x1;
	s4 =	sadd.s32 s5, s19  }
0x9d: {  	s8 =	simm.s32 $0x0;
	s20 =	sshll.u32 s6, $0x1;
	s6 =	sadd.s32 s21, s4  }
0x9e: {  	[timem:s8], [sflag:s22] =	dma.local [hbm:s6], s20  }
0x9f: {  	_ =	swait.ge [sflag:s22], s20  }
0xa0: {  	s5 =	ssub.s32 $0x0, s20;
	[sflag:s22] =	ssyncset.done $0x0  }
0xa1: {  	[sflag:s22] =	ssyncadd.s32 s5;
	_ =	sdelay $0x1  }
0xa2: {  	s23 =	simm.s32 $0x1B8B  }
0xa3: {  	_ =	swait.ge [sflag:s23], $0x1  }
0xa4: {  	[sflag:s23] =	ssyncset.done $0x0  }
0xa5: {  	s25 =	simm.s32 $0x1B8E;
	s24 =	sld [smem:$0x3FFE];
	[sflag:s23] =	ssyncadd.s32 $0xFFFFFFFF  }
0xa6: {  	s26 =	simm.s32 $execute0_lowered;
	[smem:$0x3FD2] =	sst s25  }
0xa7: {  	s6 =	sshll.u32 s26, $0x1;
	_ =	strace $0x80000046;
	[dreg:$0x1] =	wrdreg $0xFFFFFFFF  }
0xa8: {  	s28 =	simm.s32 $_size_execute0_lowered;
	s4 =	sadd.s32 s4, s6;
	[dreg:$0x0] =	wrdreg $0x0  }
0xa9: {  	s6 =	sshll.u32 s28, $0x1;
	[dreg:$0x2] =	wrdreg s4  }
0xaa: {  	[dreg:$0x3] =	wrdreg s6  }
0xab: {  	[dreg:$0x4] =	wrdreg $0xC0  }
0xac: {  	_ =	task [dreg:s8], $0x5FFFF  }
0xad: {  	[dreg:$0x1] =	wrdreg $0xFFFFFFFF  }
0xae: {  	[dreg:$0x0] =	wrdreg $0x60  }
0xaf: {  	[dreg:$0x2] =	wrdreg s2  }
0xb0: {  	[dreg:$0x3] =	wrdreg s24  }
0xb1: {  	[dreg:$0x4] =	wrdreg s18  }
0xb2: {  	[dreg:$0x5] =	wrdreg $0x9  }
0xb3: {  	_ =	task.clear_ibuf [dreg:s8], $0x6FFFF;
	_ =	strace $0x90000046  }
0xb4: {  	s29 =	simm.s32 $0x9;
	_ =	strace $0x80000048  }
0xb5: {  	_ =	swait.ge [sflag:s29], $0x1  }
0xb6: {  	[sflag:s29] =	ssyncadd.s32 $0xFFFFFFFF  }
0xb7: {  	_ =	strace $0x90000048  }
0xb8: {  	_ =	sfence  }
0xb9: {  	s30 =	sld [smem:$0x0];
	_ =	sdelay $0x2  }
0xba: {  	s31 =	sshll.u32 s1, $0xD;
	s1 =	sshrl.u32 s1, $0x2  }
0xbb: {  	s3 =	sand.u32 $0x4000, s31;
	s1 =	sadd.s32 s1, s30  }
0xbc: {  	s0 =	sor.u32 s3, s0;
	s1 =	sshll.u32 s1, $0x11  }
0xbd: {  	s0 =	sor.u32 s1, s0  }
0xbe: {  	s0 =	sadd.s32 $0x8F2B, s0  }
0xbf: {  	[sflag:s0] =	ssyncadd.remote.s32 $0x1  }
0xc0: {  	_ =	sfence.sel $0xFFFF  }
0xc1: {  	[dreg:$0x0] =	wrdreg $0xFFFFFFFF;
	(pc) =	sbr.abs _section_cstart, $3  }
0xc2: {  	[dreg:$0x1] =	wrdreg $0xFFFFFFFF  }
0xc3: {  	_ =	task.clear_ibuf [dreg:s8], $0x2FFFF;
	_ =	strace $0x9FFFFFFF  }
0xc4: {  	(tm) =	ssettm $0x7FFFFFFF  }
0xc5: {  	_ =	shalt  }
tec
execute0_lowered:
.L_overlay_start_1:
0x0: {  	(tag) =	ssettag $0x1  }
0x1: {  	s4 =	rddreg [dreg:$0x0]  }
0x2: {  	s3 =	rddreg [dreg:$0x1]  }
0x3: {  	s8 =	rddreg [dreg:$0x2]  }
0x4: {  	s0 =	rddreg [dreg:$0x3];
	s5 =	srdreg.scid  }
0x5: {  	s1 =	stileid.u32;
	s2 =	simm.s32 $0x0;
	s11 =	simm.s32 $0x20000  }
0x6: {  	s12 =	simm.s32 $0x400;
	s13 =	simm.s32 $0x1;
	s14 =	simm.s32 $0x6800  }
0x7: {  	s15 =	simm.s32 $0x2;
	s16 =	simm.s32 $0xCC00;
	s17 =	simm.s32 $0x0  }
0x8: {  	s5 =	sand.u32 $0x1, s5;
	s6 =	sshll.u32 s1, $0x1;
	[smem:$0x7FF] =	sst s2  }
0x9: {  	s3 =	sadd.s32 $0xA00, s3;
	s6 =	sor.u32 s5, s6;
	s5 =	ssub.s32 $0x2, s5  }
0xa: {  	_ =	strace $0x80000047;
	s7 =	sshll.u32 s6, $0x9;
	s9 =	sshrl.u32 s5, $0x1  }
0xb: {  	s10 =	sshll.u32 s6, $0x7;
	s4 =	sadd.s32 s4, s7;
	s9 =	ssub.s32 s5, s9  }
0xc: {  	s8 =	sadd.s32 s8, s10;
	s10 =	simm.s32 $0x3;
	s5 =	sadd.s32 $0x80, s4  }
0xd: {  	s6 =	sadd.s32 $0x100, s4;
	s7 =	sadd.s32 $0x180, s4;
	s9 =	smax.u32 s9, $0x1  }
.LBB2_1:
0xe: {  	[tilespmem:s2], [sflag:$0x3] =	stream.linear.gather [hbm4b:s3+s2], $0x400, $0x38;
	[tilespmem:$0xD000] =	vst v63  }
0xf: {  	_ =	swait.ge [sflag:s10], $0x400  }
0x10: {  	[sflag:s10] =	ssyncset.done $0x0  }
0x11: {  	[sflag:s10] =	ssyncadd.s32 $0xFFFFFC00  }
0x12: {  	[tilespmem:s12], [sflag:$0x1] =	stream.strided.gather [hbm4b:s4+s12], $0x6400, s11, s12, $0x38;
	[tilespmem:$0xD000] =	vst v63  }
0x13: {  	_ =	swait.ge [sflag:s13], $0x6400  }
0x14: {  	[sflag:s13] =	ssyncset.done $0x0  }
0x15: {  	s18 =	simm.s32 $0x680;
	s19 =	simm.s32 $0x0;
	[sflag:s13] =	ssyncadd.s32 $0xFFFF9C00  }
0x16: {  	[tilespmem:s14], [sflag:$0x2] =	stream.strided.gather [hbm4b:s5+s12], $0x6400, s11, s12, $0x38;
	[tilespmem:$0xD000] =	vst v63  }
.LBB2_2:
0x17: {  	v5 =	vmov s18;
	_ =	sdelay $0x3  }
0x18: {  	s20 =	simm.s32 $0x0  }
0x19: {  	v1 =	vld.idx.msk [tilespmem:v5+s20+$0x0 ss:$0x1], $0xffff  }
0x1a: {  	v2 =	vld.idx.msk [tilespmem:v5+s20+$0x80 ss:$0x1], $0xffff  }
0x1b: {  	v3 =	vld.idx.msk [tilespmem:v5+s20+$0x100 ss:$0x1], $0xffff  }
0x1c: {  	v13 =	vld.idx.msk [tilespmem:v5+s20+$0x180 ss:$0x1], $0xffff  }
0x1d: {  	v0 =	vld.idx.msk [tilespmem:v5+s20+$0x200 ss:$0x1], $0xffff  }
0x1e: {  	v15 =	vld.idx.msk [tilespmem:v5+s20+$0xFFFFFD80 ss:$0x1], $0xffff  }
0x1f: {  	v16 =	vld.idx.msk [tilespmem:v5+s20+$0xFFFFFE00 ss:$0x1], $0xffff  }
0x20: {  	v17 =	vld.idx.msk [tilespmem:v5+s20+$0xFFFFFE80 ss:$0x1], $0xffff  }
0x21: {  	v14 =	vld.idx.msk [tilespmem:v5+s20+$0xFFFFFF00 ss:$0x1], $0xffff  }
0x22: {  	v10 =	vimm.f32 $0.0e+00;
	v12 =	vld.idx.msk [tilespmem:v5+s20+$0xFFFFFF80 ss:$0x1], $0xffff  }
0x23: {  	v11 =	vimm.f32 $0.0e+00;
	v8 =	vimm.f32 $0.0e+00;
	v9 =	vimm.f32 $0.0e+00;
	v19 =	vld.idx.msk [tilespmem:v1+s2+$0x0], $0xffff  }
0x24: {  	v6 =	vimm.f32 $0.0e+00;
	v7 =	vimm.f32 $0.0e+00;
	v4 =	vimm.f32 $0.0e+00;
	v20 =	vld.idx.msk [tilespmem:v2+s2+$0x0], $0xffff  }
0x25: {  	s21 =	simm.s32 $0x1400;
	s20 =	sshll.u32 s19, $0x4;
	v2 =	vimm.f32 $0.0e+00;
	v18 =	vld.idx.msk [tilespmem:v3+s2+$0x0], $0xffff;
	v3 =	vimm.f32 $0.0e+00;
	v1 =	vimm.f32 $0.0e+00  }
.LBB2_3:
0x26: {  	p0 =	sne.s32 s21, $0x17C00;
	v15 =	vld.idx.msk [tilespmem:v15+s2+$0x0], $0xffff  }
0x27: {  	v13 =	vld.idx.msk [tilespmem:v13+s2+$0x0], $0xffff  }
0x28: {  	v16 =	vld.idx.msk [tilespmem:v16+s2+$0x0], $0xffff  }
0x29: {  	s22 =	sshra.s32 s21, $0x2;
	v17 =	vld.idx.msk [tilespmem:v17+s2+$0x0], $0xffff  }
0x2a: {  	v22 =	vand.u32 $0xFFFF0000, v19;
	v19 =	vshll.u32 v19, $0x10;
	v21 =	vld.idx.msk [tilespmem:v5+s22+$0x0 ss:$0x1], $0xffff  }
0x2b: {  	v23 =	vand.u32 $0xFFFF0000, v20;
	v20 =	vshll.u32 v20, $0x10;
	v24 =	vand.u32 $0xFFFF0000, v18;
	v14 =	vld.idx.msk [tilespmem:v14+s2+$0x0], $0xffff  }
0x2c: {  	v18 =	vshll.u32 v18, $0x10;
	v26 =	vand.u32 $0xFFFF0000, v15;
	v15 =	vshll.u32 v15, $0x10;
	v25 =	vld.idx.msk [tilespmem:v5+s22+$0x80 ss:$0x1], $0xffff  }
0x2d: {  	v10 =	vadd.f32 v15, v10;
	v11 =	vadd.f32 v26, v11;
	v26 =	vand.u32 $0xFFFF0000, v13;
	v12 =	vld.idx.msk [tilespmem:v12+s2+$0x0], $0xffff  }
0x2e: {  	v28 =	vshll.u32 v13, $0x10;
	v15 =	vand.u32 $0xFFFF0000, v16;
	v16 =	vshll.u32 v16, $0x10;
	v27 =	vld.idx.msk [tilespmem:v5+s22+$0x100 ss:$0x1], $0xffff  }
0x2f: {  	v29 =	vand.u32 $0xFFFF0000, v17;
	v10 =	vadd.f32 v19, v10;
	v11 =	vadd.f32 v22, v11;
	v19 =	vld.idx.msk [tilespmem:v0+s2+$0x0], $0xffff  }
0x30: {  	v8 =	vadd.f32 v16, v8;
	v9 =	vadd.f32 v15, v9;
	v15 =	vshll.u32 v17, $0x10;
	v13 =	vld.idx.msk [tilespmem:v5+s22+$0x180 ss:$0x1], $0xffff  }
0x31: {  	v6 =	vadd.f32 v15, v6;
	v7 =	vadd.f32 v29, v7;
	v22 =	vand.u32 $0xFFFF0000, v14;
	v0 =	vld.idx.msk [tilespmem:v5+s22+$0x200 ss:$0x1], $0xffff  }
0x32: {  	v14 =	vshll.u32 v14, $0x10;
	v8 =	vadd.f32 v20, v8;
	v9 =	vadd.f32 v23, v9;
	v15 =	vld.idx.msk [tilespmem:v5+s22+$0xFFFFFD80 ss:$0x1], $0xffff  }
0x33: {  	v6 =	vadd.f32 v18, v6;
	v7 =	vadd.f32 v24, v7;
	v20 =	vand.u32 $0xFFFF0000, v12;
	v16 =	vld.idx.msk [tilespmem:v5+s22+$0xFFFFFE00 ss:$0x1], $0xffff  }
0x34: {  	v2 =	vadd.f32 v14, v2;
	v4 =	vadd.f32 v22, v4;
	v12 =	vshll.u32 v12, $0x10;
	v17 =	vld.idx.msk [tilespmem:v5+s22+$0xFFFFFE80 ss:$0x1], $0xffff  }
.Ltmp0:
0x35: {  	v3 =	vadd.f32 v12, v3;
	v1 =	vadd.f32 v20, v1;
	v18 =	vand.u32 $0xFFFF0000, v19;
	v14 =	vld.idx.msk [tilespmem:v5+s22+$0xFFFFFF00 ss:$0x1], $0xffff;
	(pc) =	sbr.rel @p0 .LBB2_3-.Ltmp0, $4  }
0x36: {  	v2 =	vadd.f32 v28, v2;
	v4 =	vadd.f32 v26, v4;
	v20 =	vshll.u32 v19, $0x10;
	v12 =	vld.idx.msk [tilespmem:v5+s22+$0xFFFFFF80 ss:$0x1], $0xffff  }
0x37: {  	v3 =	vadd.f32 v20, v3;
	v1 =	vadd.f32 v18, v1;
	v19 =	vld.idx.msk [tilespmem:v21+s2+$0x0], $0xffff  }
0x38: {  	v20 =	vld.idx.msk [tilespmem:v25+s2+$0x0], $0xffff  }
0x39: {  	s21 =	sadd.s32 $0x1400, s21;
	v18 =	vld.idx.msk [tilespmem:v27+s2+$0x0], $0xffff  }
0x3a: {  	_ =	sdelay $0x3  }
0x3b: {  	v5 =	vld.idx.msk [tilespmem:v15+s2+$0x0], $0xffff  }
0x3c: {  	v49 =	vld.idx.msk [tilespmem:v16+s2+$0x0], $0xffff  }
0x3d: {  	v50 =	vld.idx.msk [tilespmem:v17+s2+$0x0], $0xffff;
	_ =	sdelay $0x1  }
0x3e: {  	v14 =	vld.idx.msk [tilespmem:v14+s2+$0x0], $0xffff;
	v51 =	vand.u32 $0xFFFF0000, v19  }
0x3f: {  	v52 =	vshll.u32 v19, $0x10;
	v21 =	vand.u32 $0xFFFF0000, v20;
	v53 =	vshll.u32 v20, $0x10  }
0x40: {  	v12 =	vld.idx.msk [tilespmem:v12+s2+$0x0], $0xffff;
	v23 =	vand.u32 $0xFFFF0000, v5;
	v5 =	vshll.u32 v5, $0x10;
	v57 =	vand.u32 $0xFFFF0000, v49  }
0x41: {  	v15 =	vshll.u32 v49, $0x10;
	v24 =	vand.u32 $0xFFFF0000, v50;
	v5 =	vadd.f32 v5, v10  }
0x42: {  	v13 =	vld.idx.msk [tilespmem:v13+s2+$0x0], $0xffff;
	v58 =	vshll.u32 v50, $0x10;
	v55 =	vadd.f32 v23, v11;
	v8 =	vadd.f32 v15, v8  }
0x43: {  	v59 =	vshll.u32 v14, $0x10;
	v9 =	vadd.f32 v57, v9;
	v6 =	vadd.f32 v58, v6  }
0x44: {  	v14 =	vand.u32 $0xFFFF0000, v14;
	v7 =	vadd.f32 v24, v7;
	v2 =	vadd.f32 v59, v2  }
0x45: {  	v4 =	vadd.f32 v14, v4;
	v60 =	vshll.u32 v12, $0x10;
	v12 =	vand.u32 $0xFFFF0000, v12  }
0x46: {  	v54 =	vshll.u32 v18, $0x10;
	v3 =	vadd.f32 v60, v3;
	v1 =	vadd.f32 v12, v1  }
0x47: {  	v0 =	vld.idx.msk [tilespmem:v0+s2+$0x0], $0xffff;
	v56 =	vand.u32 $0xFFFF0000, v13;
	v5 =	vadd.f32 v52, v5;
	v10 =	vadd.f32 v51, v55  }
0x48: {  	v13 =	vshll.u32 v13, $0x10;
	v8 =	vadd.f32 v53, v8;
	v9 =	vadd.f32 v21, v9  }
0x49: {  	v22 =	vand.u32 $0xFFFF0000, v18;
	v6 =	vadd.f32 v54, v6;
	v2 =	vadd.f32 v13, v2  }
0x4a: {  	v7 =	vadd.f32 v22, v7;
	v4 =	vadd.f32 v56, v4  }
0x4b: {  	v5 =	vadd.f32 v8, v5;
	v2 =	vadd.f32 v2, v6  }
0x4c: {  	s19 =	sadd.s32 $0x1, s19;
	v61 =	vshll.u32 v0, $0x10;
	v62 =	vadd.f32 v9, v10;
	v4 =	vadd.f32 v4, v7  }
0x4d: {  	p0 =	sne.s32 s19, $0x8;
	v0 =	vand.u32 $0xFFFF0000, v0;
	v3 =	vadd.f32 v61, v3;
	v2 =	vadd.f32 v2, v5  }
.Ltmp1:
0x4e: {  	v0 =	vadd.f32 v0, v1;
	v63 =	vadd.f32 v4, v62;
	(pc) =	sbr.rel @p0 .LBB2_2-.Ltmp1, $4  }
0x4f: {  	v2 =	vadd.f32 v3, v2  }
0x50: {  	v0 =	vadd.f32 v0, v63  }
0x51: {  	[tilespmem:s20+$0xCC00] =	vst v2  }
0x52: {  	s18 =	sadd.s32 $0x10, s18;
	[tilespmem:s20+$0xCC80] =	vst v0  }
0x53: {  	_ =	swait.ge [sflag:s15], $0x6400  }
0x54: {  	[sflag:s15] =	ssyncset.done $0x0  }
0x55: {  	s18 =	simm.s32 $0x400;
	s19 =	simm.s32 $0x0;
	[sflag:s15] =	ssyncadd.s32 $0xFFFF9C00  }
0x56: {  	[tilespmem:s18], [sflag:$0x1] =	stream.strided.gather [hbm4b:s6+s18], $0x6400, s11, s18, $0x38;
	[tilespmem:$0xD000] =	vst v63  }
.LBB2_6:
0x57: {  	v5 =	vmov s18;
	_ =	sdelay $0x3  }
0x58: {  	s20 =	simm.s32 $0x0  }
0x59: {  	v1 =	vld.idx.msk [tilespmem:v5+s20+$0x6680 ss:$0x1], $0xffff  }
0x5a: {  	v2 =	vld.idx.msk [tilespmem:v5+s20+$0x6700 ss:$0x1], $0xffff  }
0x5b: {  	v3 =	vld.idx.msk [tilespmem:v5+s20+$0x6780 ss:$0x1], $0xffff  }
0x5c: {  	v13 =	vld.idx.msk [tilespmem:v5+s20+$0x6800 ss:$0x1], $0xffff  }
0x5d: {  	v0 =	vld.idx.msk [tilespmem:v5+s20+$0x6880 ss:$0x1], $0xffff  }
0x5e: {  	v15 =	vld.idx.msk [tilespmem:v5+s20+$0x6400 ss:$0x1], $0xffff  }
0x5f: {  	v16 =	vld.idx.msk [tilespmem:v5+s20+$0x6480 ss:$0x1], $0xffff  }
0x60: {  	v17 =	vld.idx.msk [tilespmem:v5+s20+$0x6500 ss:$0x1], $0xffff  }
0x61: {  	v14 =	vld.idx.msk [tilespmem:v5+s20+$0x6580 ss:$0x1], $0xffff  }
0x62: {  	v10 =	vimm.f32 $0.0e+00;
	v12 =	vld.idx.msk [tilespmem:v5+s20+$0x6600 ss:$0x1], $0xffff  }
0x63: {  	v11 =	vimm.f32 $0.0e+00;
	v8 =	vimm.f32 $0.0e+00;
	v9 =	vimm.f32 $0.0e+00;
	v19 =	vld.idx.msk [tilespmem:v1+s2+$0x0], $0xffff  }
0x64: {  	v6 =	vimm.f32 $0.0e+00;
	v7 =	vimm.f32 $0.0e+00;
	v4 =	vimm.f32 $0.0e+00;
	v20 =	vld.idx.msk [tilespmem:v2+s2+$0x0], $0xffff  }
0x65: {  	s21 =	simm.s32 $0x1400;
	s20 =	sshll.u32 s19, $0x4;
	v2 =	vimm.f32 $0.0e+00;
	v18 =	vld.idx.msk [tilespmem:v3+s2+$0x0], $0xffff;
	v3 =	vimm.f32 $0.0e+00;
	v1 =	vimm.f32 $0.0e+00  }
.LBB2_7:
0x66: {  	p0 =	sne.s32 s21, $0x17C00;
	v15 =	vld.idx.msk [tilespmem:v15+s2+$0x0], $0xffff  }
0x67: {  	v13 =	vld.idx.msk [tilespmem:v13+s2+$0x0], $0xffff  }
0x68: {  	v16 =	vld.idx.msk [tilespmem:v16+s2+$0x0], $0xffff  }
0x69: {  	s22 =	sshra.s32 s21, $0x2;
	v17 =	vld.idx.msk [tilespmem:v17+s2+$0x0], $0xffff  }
0x6a: {  	v22 =	vand.u32 $0xFFFF0000, v19;
	v19 =	vshll.u32 v19, $0x10;
	v21 =	vld.idx.msk [tilespmem:v5+s22+$0x6680 ss:$0x1], $0xffff  }
0x6b: {  	v23 =	vand.u32 $0xFFFF0000, v20;
	v20 =	vshll.u32 v20, $0x10;
	v24 =	vand.u32 $0xFFFF0000, v18;
	v14 =	vld.idx.msk [tilespmem:v14+s2+$0x0], $0xffff  }
0x6c: {  	v18 =	vshll.u32 v18, $0x10;
	v26 =	vand.u32 $0xFFFF0000, v15;
	v15 =	vshll.u32 v15, $0x10;
	v25 =	vld.idx.msk [tilespmem:v5+s22+$0x6700 ss:$0x1], $0xffff  }
0x6d: {  	v10 =	vadd.f32 v15, v10;
	v11 =	vadd.f32 v26, v11;
	v26 =	vand.u32 $0xFFFF0000, v13;
	v12 =	vld.idx.msk [tilespmem:v12+s2+$0x0], $0xffff  }
0x6e: {  	v28 =	vshll.u32 v13, $0x10;
	v15 =	vand.u32 $0xFFFF0000, v16;
	v16 =	vshll.u32 v16, $0x10;
	v27 =	vld.idx.msk [tilespmem:v5+s22+$0x6780 ss:$0x1], $0xffff  }
0x6f: {  	v29 =	vand.u32 $0xFFFF0000, v17;
	v10 =	vadd.f32 v19, v10;
	v11 =	vadd.f32 v22, v11;
	v19 =	vld.idx.msk [tilespmem:v0+s2+$0x0], $0xffff  }
0x70: {  	v8 =	vadd.f32 v16, v8;
	v9 =	vadd.f32 v15, v9;
	v15 =	vshll.u32 v17, $0x10;
	v13 =	vld.idx.msk [tilespmem:v5+s22+$0x6800 ss:$0x1], $0xffff  }
0x71: {  	v6 =	vadd.f32 v15, v6;
	v7 =	vadd.f32 v29, v7;
	v22 =	vand.u32 $0xFFFF0000, v14;
	v0 =	vld.idx.msk [tilespmem:v5+s22+$0x6880 ss:$0x1], $0xffff  }
0x72: {  	v14 =	vshll.u32 v14, $0x10;
	v8 =	vadd.f32 v20, v8;
	v9 =	vadd.f32 v23, v9;
	v15 =	vld.idx.msk [tilespmem:v5+s22+$0x6400 ss:$0x1], $0xffff  }
0x73: {  	v6 =	vadd.f32 v18, v6;
	v7 =	vadd.f32 v24, v7;
	v20 =	vand.u32 $0xFFFF0000, v12;
	v16 =	vld.idx.msk [tilespmem:v5+s22+$0x6480 ss:$0x1], $0xffff  }
0x74: {  	v2 =	vadd.f32 v14, v2;
	v4 =	vadd.f32 v22, v4;
	v12 =	vshll.u32 v12, $0x10;
	v17 =	vld.idx.msk [tilespmem:v5+s22+$0x6500 ss:$0x1], $0xffff  }
.Ltmp2:
0x75: {  	v3 =	vadd.f32 v12, v3;
	v1 =	vadd.f32 v20, v1;
	v18 =	vand.u32 $0xFFFF0000, v19;
	v14 =	vld.idx.msk [tilespmem:v5+s22+$0x6580 ss:$0x1], $0xffff;
	(pc) =	sbr.rel @p0 .LBB2_7-.Ltmp2, $4  }
0x76: {  	v2 =	vadd.f32 v28, v2;
	v4 =	vadd.f32 v26, v4;
	v20 =	vshll.u32 v19, $0x10;
	v12 =	vld.idx.msk [tilespmem:v5+s22+$0x6600 ss:$0x1], $0xffff  }
0x77: {  	v3 =	vadd.f32 v20, v3;
	v1 =	vadd.f32 v18, v1;
	v19 =	vld.idx.msk [tilespmem:v21+s2+$0x0], $0xffff  }
0x78: {  	v20 =	vld.idx.msk [tilespmem:v25+s2+$0x0], $0xffff  }
0x79: {  	s21 =	sadd.s32 $0x1400, s21;
	v18 =	vld.idx.msk [tilespmem:v27+s2+$0x0], $0xffff  }
0x7a: {  	_ =	sdelay $0x3  }
0x7b: {  	v5 =	vld.idx.msk [tilespmem:v15+s2+$0x0], $0xffff  }
0x7c: {  	v49 =	vld.idx.msk [tilespmem:v16+s2+$0x0], $0xffff  }
0x7d: {  	v50 =	vld.idx.msk [tilespmem:v17+s2+$0x0], $0xffff;
	_ =	sdelay $0x1  }
0x7e: {  	v14 =	vld.idx.msk [tilespmem:v14+s2+$0x0], $0xffff;
	v51 =	vand.u32 $0xFFFF0000, v19  }
0x7f: {  	v52 =	vshll.u32 v19, $0x10;
	v21 =	vand.u32 $0xFFFF0000, v20;
	v53 =	vshll.u32 v20, $0x10  }
0x80: {  	v12 =	vld.idx.msk [tilespmem:v12+s2+$0x0], $0xffff;
	v23 =	vand.u32 $0xFFFF0000, v5;
	v5 =	vshll.u32 v5, $0x10;
	v57 =	vand.u32 $0xFFFF0000, v49  }
0x81: {  	v15 =	vshll.u32 v49, $0x10;
	v24 =	vand.u32 $0xFFFF0000, v50;
	v5 =	vadd.f32 v5, v10  }
0x82: {  	v13 =	vld.idx.msk [tilespmem:v13+s2+$0x0], $0xffff;
	v58 =	vshll.u32 v50, $0x10;
	v55 =	vadd.f32 v23, v11;
	v8 =	vadd.f32 v15, v8  }
0x83: {  	v59 =	vshll.u32 v14, $0x10;
	v9 =	vadd.f32 v57, v9;
	v6 =	vadd.f32 v58, v6  }
0x84: {  	v14 =	vand.u32 $0xFFFF0000, v14;
	v7 =	vadd.f32 v24, v7;
	v2 =	vadd.f32 v59, v2  }
0x85: {  	v4 =	vadd.f32 v14, v4;
	v60 =	vshll.u32 v12, $0x10;
	v12 =	vand.u32 $0xFFFF0000, v12  }
0x86: {  	v54 =	vshll.u32 v18, $0x10;
	v3 =	vadd.f32 v60, v3;
	v1 =	vadd.f32 v12, v1  }
0x87: {  	v0 =	vld.idx.msk [tilespmem:v0+s2+$0x0], $0xffff;
	v56 =	vand.u32 $0xFFFF0000, v13;
	v5 =	vadd.f32 v52, v5;
	v10 =	vadd.f32 v51, v55  }
0x88: {  	v13 =	vshll.u32 v13, $0x10;
	v8 =	vadd.f32 v53, v8;
	v9 =	vadd.f32 v21, v9  }
0x89: {  	v22 =	vand.u32 $0xFFFF0000, v18;
	v6 =	vadd.f32 v54, v6;
	v2 =	vadd.f32 v13, v2  }
0x8a: {  	v7 =	vadd.f32 v22, v7;
	v4 =	vadd.f32 v56, v4  }
0x8b: {  	v5 =	vadd.f32 v8, v5;
	v2 =	vadd.f32 v2, v6  }
0x8c: {  	s19 =	sadd.s32 $0x1, s19;
	v61 =	vshll.u32 v0, $0x10;
	v62 =	vadd.f32 v9, v10;
	v4 =	vadd.f32 v4, v7  }
0x8d: {  	p0 =	sne.s32 s19, $0x8;
	v0 =	vand.u32 $0xFFFF0000, v0;
	v3 =	vadd.f32 v61, v3;
	v2 =	vadd.f32 v2, v5  }
.Ltmp3:
0x8e: {  	v0 =	vadd.f32 v0, v1;
	v63 =	vadd.f32 v4, v62;
	(pc) =	sbr.rel @p0 .LBB2_6-.Ltmp3, $4  }
0x8f: {  	v2 =	vadd.f32 v3, v2  }
0x90: {  	v0 =	vadd.f32 v0, v63  }
0x91: {  	[tilespmem:s20+$0xCD00] =	vst v2  }
0x92: {  	s18 =	sadd.s32 $0x10, s18;
	[tilespmem:s20+$0xCD80] =	vst v0  }
0x93: {  	_ =	swait.ge [sflag:s13], $0x6400  }
0x94: {  	[sflag:s13] =	ssyncset.done $0x0  }
0x95: {  	s18 =	simm.s32 $0x0;
	s19 =	simm.s32 $0x680;
	[sflag:s13] =	ssyncadd.s32 $0xFFFF9C00  }
0x96: {  	[tilespmem:s14], [sflag:$0x2] =	stream.strided.gather [hbm4b:s7+s12], $0x6400, s11, s12, $0x38;
	[tilespmem:$0xD000] =	vst v63  }
.LBB2_10:
0x97: {  	v5 =	vmov s19;
	_ =	sdelay $0x3  }
0x98: {  	s20 =	simm.s32 $0x0  }
0x99: {  	v1 =	vld.idx.msk [tilespmem:v5+s20+$0x0 ss:$0x1], $0xffff  }
0x9a: {  	v2 =	vld.idx.msk [tilespmem:v5+s20+$0x80 ss:$0x1], $0xffff  }
0x9b: {  	v3 =	vld.idx.msk [tilespmem:v5+s20+$0x100 ss:$0x1], $0xffff  }
0x9c: {  	v13 =	vld.idx.msk [tilespmem:v5+s20+$0x180 ss:$0x1], $0xffff  }
0x9d: {  	v0 =	vld.idx.msk [tilespmem:v5+s20+$0x200 ss:$0x1], $0xffff  }
0x9e: {  	v15 =	vld.idx.msk [tilespmem:v5+s20+$0xFFFFFD80 ss:$0x1], $0xffff  }
0x9f: {  	v16 =	vld.idx.msk [tilespmem:v5+s20+$0xFFFFFE00 ss:$0x1], $0xffff  }
0xa0: {  	v17 =	vld.idx.msk [tilespmem:v5+s20+$0xFFFFFE80 ss:$0x1], $0xffff  }
0xa1: {  	v14 =	vld.idx.msk [tilespmem:v5+s20+$0xFFFFFF00 ss:$0x1], $0xffff  }
0xa2: {  	v10 =	vimm.f32 $0.0e+00;
	v12 =	vld.idx.msk [tilespmem:v5+s20+$0xFFFFFF80 ss:$0x1], $0xffff  }
0xa3: {  	v11 =	vimm.f32 $0.0e+00;
	v8 =	vimm.f32 $0.0e+00;
	v9 =	vimm.f32 $0.0e+00;
	v19 =	vld.idx.msk [tilespmem:v1+s2+$0x0], $0xffff  }
0xa4: {  	v6 =	vimm.f32 $0.0e+00;
	v7 =	vimm.f32 $0.0e+00;
	v4 =	vimm.f32 $0.0e+00;
	v20 =	vld.idx.msk [tilespmem:v2+s2+$0x0], $0xffff  }
0xa5: {  	s21 =	simm.s32 $0x1400;
	s20 =	sshll.u32 s18, $0x4;
	v2 =	vimm.f32 $0.0e+00;
	v18 =	vld.idx.msk [tilespmem:v3+s2+$0x0], $0xffff;
	v3 =	vimm.f32 $0.0e+00;
	v1 =	vimm.f32 $0.0e+00  }
.LBB2_11:
0xa6: {  	p0 =	sne.s32 s21, $0x17C00;
	v15 =	vld.idx.msk [tilespmem:v15+s2+$0x0], $0xffff  }
0xa7: {  	v13 =	vld.idx.msk [tilespmem:v13+s2+$0x0], $0xffff  }
0xa8: {  	v16 =	vld.idx.msk [tilespmem:v16+s2+$0x0], $0xffff  }
0xa9: {  	s22 =	sshra.s32 s21, $0x2;
	v17 =	vld.idx.msk [tilespmem:v17+s2+$0x0], $0xffff  }
0xaa: {  	v22 =	vand.u32 $0xFFFF0000, v19;
	v19 =	vshll.u32 v19, $0x10;
	v21 =	vld.idx.msk [tilespmem:v5+s22+$0x0 ss:$0x1], $0xffff  }
0xab: {  	v23 =	vand.u32 $0xFFFF0000, v20;
	v20 =	vshll.u32 v20, $0x10;
	v24 =	vand.u32 $0xFFFF0000, v18;
	v14 =	vld.idx.msk [tilespmem:v14+s2+$0x0], $0xffff  }
0xac: {  	v18 =	vshll.u32 v18, $0x10;
	v26 =	vand.u32 $0xFFFF0000, v15;
	v15 =	vshll.u32 v15, $0x10;
	v25 =	vld.idx.msk [tilespmem:v5+s22+$0x80 ss:$0x1], $0xffff  }
0xad: {  	v10 =	vadd.f32 v15, v10;
	v11 =	vadd.f32 v26, v11;
	v26 =	vand.u32 $0xFFFF0000, v13;
	v12 =	vld.idx.msk [tilespmem:v12+s2+$0x0], $0xffff  }
0xae: {  	v28 =	vshll.u32 v13, $0x10;
	v15 =	vand.u32 $0xFFFF0000, v16;
	v16 =	vshll.u32 v16, $0x10;
	v27 =	vld.idx.msk [tilespmem:v5+s22+$0x100 ss:$0x1], $0xffff  }
0xaf: {  	v29 =	vand.u32 $0xFFFF0000, v17;
	v10 =	vadd.f32 v19, v10;
	v11 =	vadd.f32 v22, v11;
	v19 =	vld.idx.msk [tilespmem:v0+s2+$0x0], $0xffff  }
0xb0: {  	v8 =	vadd.f32 v16, v8;
	v9 =	vadd.f32 v15, v9;
	v15 =	vshll.u32 v17, $0x10;
	v13 =	vld.idx.msk [tilespmem:v5+s22+$0x180 ss:$0x1], $0xffff  }
0xb1: {  	v6 =	vadd.f32 v15, v6;
	v7 =	vadd.f32 v29, v7;
	v22 =	vand.u32 $0xFFFF0000, v14;
	v0 =	vld.idx.msk [tilespmem:v5+s22+$0x200 ss:$0x1], $0xffff  }
0xb2: {  	v14 =	vshll.u32 v14, $0x10;
	v8 =	vadd.f32 v20, v8;
	v9 =	vadd.f32 v23, v9;
	v15 =	vld.idx.msk [tilespmem:v5+s22+$0xFFFFFD80 ss:$0x1], $0xffff  }
0xb3: {  	v6 =	vadd.f32 v18, v6;
	v7 =	vadd.f32 v24, v7;
	v20 =	vand.u32 $0xFFFF0000, v12;
	v16 =	vld.idx.msk [tilespmem:v5+s22+$0xFFFFFE00 ss:$0x1], $0xffff  }
0xb4: {  	v2 =	vadd.f32 v14, v2;
	v4 =	vadd.f32 v22, v4;
	v12 =	vshll.u32 v12, $0x10;
	v17 =	vld.idx.msk [tilespmem:v5+s22+$0xFFFFFE80 ss:$0x1], $0xffff  }
.Ltmp4:
0xb5: {  	v3 =	vadd.f32 v12, v3;
	v1 =	vadd.f32 v20, v1;
	v18 =	vand.u32 $0xFFFF0000, v19;
	v14 =	vld.idx.msk [tilespmem:v5+s22+$0xFFFFFF00 ss:$0x1], $0xffff;
	(pc) =	sbr.rel @p0 .LBB2_11-.Ltmp4, $4  }
0xb6: {  	v2 =	vadd.f32 v28, v2;
	v4 =	vadd.f32 v26, v4;
	v20 =	vshll.u32 v19, $0x10;
	v12 =	vld.idx.msk [tilespmem:v5+s22+$0xFFFFFF80 ss:$0x1], $0xffff  }
0xb7: {  	v3 =	vadd.f32 v20, v3;
	v1 =	vadd.f32 v18, v1;
	v19 =	vld.idx.msk [tilespmem:v21+s2+$0x0], $0xffff  }
0xb8: {  	v20 =	vld.idx.msk [tilespmem:v25+s2+$0x0], $0xffff  }
0xb9: {  	s21 =	sadd.s32 $0x1400, s21;
	v18 =	vld.idx.msk [tilespmem:v27+s2+$0x0], $0xffff  }
0xba: {  	_ =	sdelay $0x3  }
0xbb: {  	v5 =	vld.idx.msk [tilespmem:v15+s2+$0x0], $0xffff  }
0xbc: {  	v49 =	vld.idx.msk [tilespmem:v16+s2+$0x0], $0xffff  }
0xbd: {  	v50 =	vld.idx.msk [tilespmem:v17+s2+$0x0], $0xffff;
	_ =	sdelay $0x1  }
0xbe: {  	v14 =	vld.idx.msk [tilespmem:v14+s2+$0x0], $0xffff;
	v51 =	vand.u32 $0xFFFF0000, v19  }
0xbf: {  	v52 =	vshll.u32 v19, $0x10;
	v21 =	vand.u32 $0xFFFF0000, v20;
	v53 =	vshll.u32 v20, $0x10  }
0xc0: {  	v12 =	vld.idx.msk [tilespmem:v12+s2+$0x0], $0xffff;
	v23 =	vand.u32 $0xFFFF0000, v5;
	v5 =	vshll.u32 v5, $0x10;
	v57 =	vand.u32 $0xFFFF0000, v49  }
0xc1: {  	v15 =	vshll.u32 v49, $0x10;
	v24 =	vand.u32 $0xFFFF0000, v50;
	v5 =	vadd.f32 v5, v10  }
0xc2: {  	v13 =	vld.idx.msk [tilespmem:v13+s2+$0x0], $0xffff;
	v58 =	vshll.u32 v50, $0x10;
	v55 =	vadd.f32 v23, v11;
	v8 =	vadd.f32 v15, v8  }
0xc3: {  	v59 =	vshll.u32 v14, $0x10;
	v9 =	vadd.f32 v57, v9;
	v6 =	vadd.f32 v58, v6  }
0xc4: {  	v14 =	vand.u32 $0xFFFF0000, v14;
	v7 =	vadd.f32 v24, v7;
	v2 =	vadd.f32 v59, v2  }
0xc5: {  	v4 =	vadd.f32 v14, v4;
	v60 =	vshll.u32 v12, $0x10;
	v12 =	vand.u32 $0xFFFF0000, v12  }
0xc6: {  	v54 =	vshll.u32 v18, $0x10;
	v3 =	vadd.f32 v60, v3;
	v1 =	vadd.f32 v12, v1  }
0xc7: {  	v0 =	vld.idx.msk [tilespmem:v0+s2+$0x0], $0xffff;
	v56 =	vand.u32 $0xFFFF0000, v13;
	v5 =	vadd.f32 v52, v5;
	v10 =	vadd.f32 v51, v55  }
0xc8: {  	v13 =	vshll.u32 v13, $0x10;
	v8 =	vadd.f32 v53, v8;
	v9 =	vadd.f32 v21, v9  }
0xc9: {  	v22 =	vand.u32 $0xFFFF0000, v18;
	v6 =	vadd.f32 v54, v6;
	v2 =	vadd.f32 v13, v2  }
0xca: {  	v7 =	vadd.f32 v22, v7;
	v4 =	vadd.f32 v56, v4  }
0xcb: {  	v5 =	vadd.f32 v8, v5;
	v2 =	vadd.f32 v2, v6  }
0xcc: {  	s18 =	sadd.s32 $0x1, s18;
	v61 =	vshll.u32 v0, $0x10;
	v62 =	vadd.f32 v9, v10;
	v4 =	vadd.f32 v4, v7  }
0xcd: {  	p0 =	sne.s32 s18, $0x8;
	v0 =	vand.u32 $0xFFFF0000, v0;
	v3 =	vadd.f32 v61, v3;
	v2 =	vadd.f32 v2, v5  }
.Ltmp5:
0xce: {  	v0 =	vadd.f32 v0, v1;
	v63 =	vadd.f32 v4, v62;
	(pc) =	sbr.rel @p0 .LBB2_10-.Ltmp5, $4  }
0xcf: {  	v2 =	vadd.f32 v3, v2  }
0xd0: {  	v0 =	vadd.f32 v0, v63  }
0xd1: {  	[tilespmem:s20+$0xCE00] =	vst v2  }
0xd2: {  	s19 =	sadd.s32 $0x10, s19;
	[tilespmem:s20+$0xCE80] =	vst v0  }
0xd3: {  	_ =	swait.ge [sflag:s15], $0x6400  }
0xd4: {  	[sflag:s15] =	ssyncset.done $0x0  }
0xd5: {  	s18 =	simm.s32 $0x0;
	s19 =	simm.s32 $0x400;
	[sflag:s15] =	ssyncadd.s32 $0xFFFF9C00  }
.LBB2_14:
0xd6: {  	v5 =	vmov s19;
	_ =	sdelay $0x3  }
0xd7: {  	s20 =	simm.s32 $0x0  }
0xd8: {  	v1 =	vld.idx.msk [tilespmem:v5+s20+$0x6680 ss:$0x1], $0xffff  }
0xd9: {  	v2 =	vld.idx.msk [tilespmem:v5+s20+$0x6700 ss:$0x1], $0xffff  }
0xda: {  	v3 =	vld.idx.msk [tilespmem:v5+s20+$0x6780 ss:$0x1], $0xffff  }
0xdb: {  	v13 =	vld.idx.msk [tilespmem:v5+s20+$0x6800 ss:$0x1], $0xffff  }
0xdc: {  	v0 =	vld.idx.msk [tilespmem:v5+s20+$0x6880 ss:$0x1], $0xffff  }
0xdd: {  	v15 =	vld.idx.msk [tilespmem:v5+s20+$0x6400 ss:$0x1], $0xffff  }
0xde: {  	v16 =	vld.idx.msk [tilespmem:v5+s20+$0x6480 ss:$0x1], $0xffff  }
0xdf: {  	v17 =	vld.idx.msk [tilespmem:v5+s20+$0x6500 ss:$0x1], $0xffff  }
0xe0: {  	v14 =	vld.idx.msk [tilespmem:v5+s20+$0x6580 ss:$0x1], $0xffff  }
0xe1: {  	v10 =	vimm.f32 $0.0e+00;
	v12 =	vld.idx.msk [tilespmem:v5+s20+$0x6600 ss:$0x1], $0xffff  }
0xe2: {  	v11 =	vimm.f32 $0.0e+00;
	v8 =	vimm.f32 $0.0e+00;
	v9 =	vimm.f32 $0.0e+00;
	v19 =	vld.idx.msk [tilespmem:v1+s2+$0x0], $0xffff  }
0xe3: {  	v6 =	vimm.f32 $0.0e+00;
	v7 =	vimm.f32 $0.0e+00;
	v4 =	vimm.f32 $0.0e+00;
	v20 =	vld.idx.msk [tilespmem:v2+s2+$0x0], $0xffff  }
0xe4: {  	s21 =	simm.s32 $0x1400;
	s20 =	sshll.u32 s18, $0x4;
	v2 =	vimm.f32 $0.0e+00;
	v18 =	vld.idx.msk [tilespmem:v3+s2+$0x0], $0xffff;
	v3 =	vimm.f32 $0.0e+00;
	v1 =	vimm.f32 $0.0e+00  }
.LBB2_15:
0xe5: {  	p0 =	sne.s32 s21, $0x17C00;
	v15 =	vld.idx.msk [tilespmem:v15+s2+$0x0], $0xffff  }
0xe6: {  	v13 =	vld.idx.msk [tilespmem:v13+s2+$0x0], $0xffff  }
0xe7: {  	v16 =	vld.idx.msk [tilespmem:v16+s2+$0x0], $0xffff  }
0xe8: {  	s22 =	sshra.s32 s21, $0x2;
	v17 =	vld.idx.msk [tilespmem:v17+s2+$0x0], $0xffff  }
0xe9: {  	v22 =	vand.u32 $0xFFFF0000, v19;
	v19 =	vshll.u32 v19, $0x10;
	v21 =	vld.idx.msk [tilespmem:v5+s22+$0x6680 ss:$0x1], $0xffff  }
0xea: {  	v23 =	vand.u32 $0xFFFF0000, v20;
	v20 =	vshll.u32 v20, $0x10;
	v24 =	vand.u32 $0xFFFF0000, v18;
	v14 =	vld.idx.msk [tilespmem:v14+s2+$0x0], $0xffff  }
0xeb: {  	v18 =	vshll.u32 v18, $0x10;
	v26 =	vand.u32 $0xFFFF0000, v15;
	v15 =	vshll.u32 v15, $0x10;
	v25 =	vld.idx.msk [tilespmem:v5+s22+$0x6700 ss:$0x1], $0xffff  }
0xec: {  	v10 =	vadd.f32 v15, v10;
	v11 =	vadd.f32 v26, v11;
	v26 =	vand.u32 $0xFFFF0000, v13;
	v12 =	vld.idx.msk [tilespmem:v12+s2+$0x0], $0xffff  }
0xed: {  	v28 =	vshll.u32 v13, $0x10;
	v15 =	vand.u32 $0xFFFF0000, v16;
	v16 =	vshll.u32 v16, $0x10;
	v27 =	vld.idx.msk [tilespmem:v5+s22+$0x6780 ss:$0x1], $0xffff  }
0xee: {  	v29 =	vand.u32 $0xFFFF0000, v17;
	v10 =	vadd.f32 v19, v10;
	v11 =	vadd.f32 v22, v11;
	v19 =	vld.idx.msk [tilespmem:v0+s2+$0x0], $0xffff  }
0xef: {  	v8 =	vadd.f32 v16, v8;
	v9 =	vadd.f32 v15, v9;
	v15 =	vshll.u32 v17, $0x10;
	v13 =	vld.idx.msk [tilespmem:v5+s22+$0x6800 ss:$0x1], $0xffff  }
0xf0: {  	v6 =	vadd.f32 v15, v6;
	v7 =	vadd.f32 v29, v7;
	v22 =	vand.u32 $0xFFFF0000, v14;
	v0 =	vld.idx.msk [tilespmem:v5+s22+$0x6880 ss:$0x1], $0xffff  }
0xf1: {  	v14 =	vshll.u32 v14, $0x10;
	v8 =	vadd.f32 v20, v8;
	v9 =	vadd.f32 v23, v9;
	v15 =	vld.idx.msk [tilespmem:v5+s22+$0x6400 ss:$0x1], $0xffff  }
0xf2: {  	v6 =	vadd.f32 v18, v6;
	v7 =	vadd.f32 v24, v7;
	v20 =	vand.u32 $0xFFFF0000, v12;
	v16 =	vld.idx.msk [tilespmem:v5+s22+$0x6480 ss:$0x1], $0xffff  }
0xf3: {  	v2 =	vadd.f32 v14, v2;
	v4 =	vadd.f32 v22, v4;
	v12 =	vshll.u32 v12, $0x10;
	v17 =	vld.idx.msk [tilespmem:v5+s22+$0x6500 ss:$0x1], $0xffff  }
.Ltmp6:
0xf4: {  	v3 =	vadd.f32 v12, v3;
	v1 =	vadd.f32 v20, v1;
	v18 =	vand.u32 $0xFFFF0000, v19;
	v14 =	vld.idx.msk [tilespmem:v5+s22+$0x6580 ss:$0x1], $0xffff;
	(pc) =	sbr.rel @p0 .LBB2_15-.Ltmp6, $4  }
0xf5: {  	v2 =	vadd.f32 v28, v2;
	v4 =	vadd.f32 v26, v4;
	v20 =	vshll.u32 v19, $0x10;
	v12 =	vld.idx.msk [tilespmem:v5+s22+$0x6600 ss:$0x1], $0xffff  }
0xf6: {  	v3 =	vadd.f32 v20, v3;
	v1 =	vadd.f32 v18, v1;
	v19 =	vld.idx.msk [tilespmem:v21+s2+$0x0], $0xffff  }
0xf7: {  	v20 =	vld.idx.msk [tilespmem:v25+s2+$0x0], $0xffff  }
0xf8: {  	s21 =	sadd.s32 $0x1400, s21;
	v18 =	vld.idx.msk [tilespmem:v27+s2+$0x0], $0xffff  }
0xf9: {  	_ =	sdelay $0x3  }
0xfa: {  	v5 =	vld.idx.msk [tilespmem:v15+s2+$0x0], $0xffff  }
0xfb: {  	v49 =	vld.idx.msk [tilespmem:v16+s2+$0x0], $0xffff  }
0xfc: {  	v50 =	vld.idx.msk [tilespmem:v17+s2+$0x0], $0xffff;
	_ =	sdelay $0x1  }
0xfd: {  	v14 =	vld.idx.msk [tilespmem:v14+s2+$0x0], $0xffff;
	v51 =	vand.u32 $0xFFFF0000, v19  }
0xfe: {  	v52 =	vshll.u32 v19, $0x10;
	v21 =	vand.u32 $0xFFFF0000, v20;
	v53 =	vshll.u32 v20, $0x10  }
0xff: {  	v12 =	vld.idx.msk [tilespmem:v12+s2+$0x0], $0xffff;
	v23 =	vand.u32 $0xFFFF0000, v5;
	v5 =	vshll.u32 v5, $0x10;
	v57 =	vand.u32 $0xFFFF0000, v49  }
0x100: {  	v15 =	vshll.u32 v49, $0x10;
	v24 =	vand.u32 $0xFFFF0000, v50;
	v5 =	vadd.f32 v5, v10  }
0x101: {  	v13 =	vld.idx.msk [tilespmem:v13+s2+$0x0], $0xffff;
	v58 =	vshll.u32 v50, $0x10;
	v55 =	vadd.f32 v23, v11;
	v8 =	vadd.f32 v15, v8  }
0x102: {  	v59 =	vshll.u32 v14, $0x10;
	v9 =	vadd.f32 v57, v9;
	v6 =	vadd.f32 v58, v6  }
0x103: {  	v14 =	vand.u32 $0xFFFF0000, v14;
	v7 =	vadd.f32 v24, v7;
	v2 =	vadd.f32 v59, v2  }
0x104: {  	v4 =	vadd.f32 v14, v4;
	v60 =	vshll.u32 v12, $0x10;
	v12 =	vand.u32 $0xFFFF0000, v12  }
0x105: {  	v54 =	vshll.u32 v18, $0x10;
	v3 =	vadd.f32 v60, v3;
	v1 =	vadd.f32 v12, v1  }
0x106: {  	v0 =	vld.idx.msk [tilespmem:v0+s2+$0x0], $0xffff;
	v56 =	vand.u32 $0xFFFF0000, v13;
	v5 =	vadd.f32 v52, v5;
	v10 =	vadd.f32 v51, v55  }
0x107: {  	v13 =	vshll.u32 v13, $0x10;
	v8 =	vadd.f32 v53, v8;
	v9 =	vadd.f32 v21, v9  }
0x108: {  	v22 =	vand.u32 $0xFFFF0000, v18;
	v6 =	vadd.f32 v54, v6;
	v2 =	vadd.f32 v13, v2  }
0x109: {  	v7 =	vadd.f32 v22, v7;
	v4 =	vadd.f32 v56, v4  }
0x10a: {  	v5 =	vadd.f32 v8, v5;
	v2 =	vadd.f32 v2, v6  }
0x10b: {  	s18 =	sadd.s32 $0x1, s18;
	v61 =	vshll.u32 v0, $0x10;
	v62 =	vadd.f32 v9, v10;
	v4 =	vadd.f32 v4, v7  }
0x10c: {  	p0 =	sne.s32 s18, $0x8;
	v0 =	vand.u32 $0xFFFF0000, v0;
	v3 =	vadd.f32 v61, v3;
	v2 =	vadd.f32 v2, v5  }
.Ltmp7:
0x10d: {  	v0 =	vadd.f32 v0, v1;
	v63 =	vadd.f32 v4, v62;
	(pc) =	sbr.rel @p0 .LBB2_14-.Ltmp7, $4  }
0x10e: {  	v2 =	vadd.f32 v3, v2  }
0x10f: {  	v0 =	vadd.f32 v0, v63  }
0x110: {  	[tilespmem:s20+$0xCF00] =	vst v2  }
0x111: {  	s19 =	sadd.s32 $0x10, s19;
	[tilespmem:s20+$0xCF80] =	vst v0  }
0x112: {  	s17 =	sadd.s32 $0x1, s17  }
0x113: {  	p0 =	sne.s32 s17, s9  }
.Ltmp8:
0x114: {  	_ = 	snop;
	(pc) =	sbr.rel @p0 .LBB2_1-.Ltmp8, $4  }
0x115: {  	[hbm4b:s8+s2] =	stream.linear.scatter [tilespmem:s16], [sflag:$0x3], $0x400, $0x38;
	[tilespmem:$0xD000] =	vst v63  }
0x116: {  	_ =	swait.ge [sflag:s10], $0x400  }
0x117: {  	[sflag:s10] =	ssyncset.done $0x0  }
0x118: {  	[sflag:s10] =	ssyncadd.s32 $0xFFFFFC00  }
0x119: {  	_ =	sfence.sel $0x180000  }
0x11a: {  	[bflag:$0x0] =	sbarrier.arrive $0xFFFF  }
0x11b: {  	p0 =	sne.s32 s1, $0x0;
	_ =	strace $0x90000047  }
0x11c: {  	s0 =	sadd.s32 @!p0 $0x100000, s0;
	[bflag:$0x2] =	sbarrier.arrive $0xFFFF  }
0x11d: {  	[sflag:s0] =	ssyncadd.tile.s32 @!p0 $0x1;
	_ =	shalt  }
.Lfunc_end2:
_tile_overlayer_lowered:
.L_overlay_start_2:
0x11e: {  	(tag) =	ssettag $0x2  }
0x11f: {  	s0 =	rddreg [dreg:$0x0];
	s2 =	stileid.u32  }
0x120: {  	s1 =	rddreg [dreg:$0x1];
	p0 =	sne.s32 s2, $0x0  }
0x121: {  	s3 =	rddreg [dreg:$0x2];
	[bflag:$0x3] =	sbarrier.arrive $0xFFFF;
	s2 =	simm.s32 @!p0 $0x1C03  }
0x122: {  	[timem:s3], [sflag:s2] =	dma.local @!p0 [hbm:s0], s1  }
0x123: {  	s0 =	simm.s32 @!p0 $0x3  }
0x124: {  	_ =	swait.ge @!p0 [sflag:s0], s1  }
0x125: {  	s1 =	ssub.s32 @!p0 $0x0, s1;
	[sflag:s0] =	ssyncset.done @!p0 $0x0  }
0x126: {  	[sflag:s0] =	ssyncadd.s32 @!p0 s1  }
0x127: {  	[bflag:$0x3] =	sbarrier.arrive $0xFFFF  }
0x128: {  	_ =	shalt  }

</sc_bundles>
